<compile_context>
chip_gen: v7x
topology: tpu7x:2x2x1
jax: 0.10.2.dev20260603
libtpu: 0.0.44.dev20260713+nightly
codegen_flags: <defaults>
</compile_context>

<pallas_src>
import functools

import jax
import jax.numpy as jnp
from jax import lax
from jax.experimental import pallas as pl
from jax.experimental.pallas import tpu as pltpu
from jax.experimental.pallas import tpu_sc as plsc

N = 10000
E = 320000
D_IN = 128
D_H = 128
D_OUT = 64

NC = 2
NS = 16
NW = NC * NS

CHUNK = 128
R_PER_TILE = 80
EROWS = R_PER_TILE * NW
E_PAD = EROWS * CHUNK

ROWS_PER_TILE = 640
N_ACC = NS * ROWS_PER_TILE

_MESH = plsc.VectorSubcoreMesh(
    core_axis_name="c", subcore_axis_name="s", num_cores=NC, num_subcores=NS)


@functools.partial(
    pl.kernel,
    out_type=(jax.ShapeDtypeStruct((NC, N_ACC, 16), jnp.float32),
              jax.ShapeDtypeStruct((NC, N_ACC, 16), jnp.float32)),
    mesh=_MESH,
    compiler_params=pltpu.CompilerParams(use_tc_tiling_on_sc=False),
    scratch_types=[
        pltpu.VMEM((R_PER_TILE, CHUNK), jnp.int32),
        pltpu.VMEM((R_PER_TILE, CHUNK), jnp.int32),
        pltpu.VMEM((CHUNK, 16), jnp.float32),
        pltpu.VMEM_SHARED((N_ACC, 16), jnp.float32),
        pltpu.VMEM_SHARED((N_ACC, 16), jnp.float32),
        [pltpu.SemaphoreType.DMA] * 4,
        [pltpu.SemaphoreType.DMA] * 4,
    ],
)
def _deg_kernel(src2_hbm, dst2_hbm, ones_hbm, zeros_hbm, dout_hbm, din_hbm,
                sidx, didx, ones_v, acc_out, acc_in, osems, isems):
  cid = lax.axis_index("c")
  sid = lax.axis_index("s")
  wid = cid * NS + sid
  base = sid * ROWS_PER_TILE
  rbase = wid * R_PER_TILE

  def start_scatters(i, s):
    pltpu.async_copy(ones_v, acc_out.at[sidx.at[i]], osems[s], add=True)
    pltpu.async_copy(ones_v, acc_in.at[didx.at[i]], isems[s], add=True)

  def wait_scatters(s):
    pltpu.make_async_copy(ones_v, acc_out.at[sidx.at[0]], osems[s]).wait()
    pltpu.make_async_copy(ones_v, acc_in.at[didx.at[0]], isems[s]).wait()

  pltpu.sync_copy(src2_hbm.at[pl.ds(rbase, R_PER_TILE)], sidx)
  pltpu.sync_copy(dst2_hbm.at[pl.ds(rbase, R_PER_TILE)], didx)
  pltpu.sync_copy(ones_hbm, ones_v)
  pltpu.sync_copy(zeros_hbm, acc_out.at[pl.ds(base, ROWS_PER_TILE)])
  pltpu.sync_copy(zeros_hbm, acc_in.at[pl.ds(base, ROWS_PER_TILE)])
  plsc.subcore_barrier()

  def loop_body(g, _):
    for k in range(4):
      i = 4 * g + k

      @pl.when(i >= 4)
      def _():
        wait_scatters(k)

      start_scatters(i, k)
    return 0

  lax.fori_loop(0, R_PER_TILE // 4, loop_body, 0)

  for k in range(4):
    wait_scatters(k)

  plsc.subcore_barrier()
  pltpu.sync_copy(acc_out.at[pl.ds(base, ROWS_PER_TILE)],
                  dout_hbm.at[cid, pl.ds(base, ROWS_PER_TILE)])
  pltpu.sync_copy(acc_in.at[pl.ds(base, ROWS_PER_TILE)],
                  din_hbm.at[cid, pl.ds(base, ROWS_PER_TILE)])


def _make_scatter_kernel(D, bulk_src):
  params = None if D % 128 == 0 else pltpu.CompilerParams(
      use_tc_tiling_on_sc=False)
  sidx_shape = (R_PER_TILE, CHUNK) if bulk_src else (2, CHUNK)

  @functools.partial(
      pl.kernel,
      out_type=jax.ShapeDtypeStruct((NC, N_ACC, D), jnp.float32),
      mesh=_MESH,
      compiler_params=params,
      scratch_types=[
          pltpu.VMEM(sidx_shape, jnp.int32),
          pltpu.VMEM((R_PER_TILE, CHUNK), jnp.int32),
          pltpu.VMEM((CHUNK, D), jnp.float32),
          pltpu.VMEM((CHUNK, D), jnp.float32),
          pltpu.VMEM_SHARED((N_ACC, D), jnp.float32),
          [pltpu.SemaphoreType.DMA] * 2,
          [pltpu.SemaphoreType.DMA] * 2,
          [pltpu.SemaphoreType.DMA] * 2,
      ],
  )
  def _scatter_kernel(tab_hbm, src_hbm, dst2_hbm, zeros_hbm, out_hbm,
                      sidx, didx, rows0, rows1, acc, psems, gsems, ssems):
    cid = lax.axis_index("c")
    sid = lax.axis_index("s")
    wid = cid * NS + sid
    base = sid * ROWS_PER_TILE
    rbase = wid * R_PER_TILE
    ebase = rbase * CHUNK

    rows = (rows0, rows1)

    def sidx_row(i, s):
      return sidx.at[i] if bulk_src else sidx.at[s]

    def prefetch_sidx(i, s):
      pltpu.async_copy(src_hbm.at[pl.ds(ebase + i * CHUNK, CHUNK)],
                       sidx.at[s], psems[s])

    def wait_sidx(s):
      pltpu.make_async_copy(src_hbm.at[pl.ds(ebase, CHUNK)], sidx.at[s],
                            psems[s]).wait()

    def start_gather(i, s):
      pltpu.async_copy(tab_hbm.at[sidx_row(i, s)], rows[s], gsems[s])

    def wait_gather(s):
      pltpu.make_async_copy(tab_hbm.at[sidx_row(0, s)], rows[s],
                            gsems[s]).wait()

    def start_scatter(i, s):
      pltpu.async_copy(rows[s], acc.at[didx.at[i]], ssems[s], add=True)

    def wait_scatter(s):
      pltpu.make_async_copy(rows[s], acc.at[didx.at[0]], ssems[s]).wait()

    if bulk_src:
      pltpu.sync_copy(src_hbm.at[pl.ds(rbase, R_PER_TILE)], sidx)
      start_gather(0, 0)
    else:
      pltpu.sync_copy(src_hbm.at[pl.ds(ebase, CHUNK)], sidx.at[0])
      start_gather(0, 0)
      pltpu.sync_copy(src_hbm.at[pl.ds(ebase + CHUNK, CHUNK)], sidx.at[1])
    pltpu.sync_copy(dst2_hbm.at[pl.ds(rbase, R_PER_TILE)], didx)
    pltpu.sync_copy(zeros_hbm, acc.at[pl.ds(base, ROWS_PER_TILE)])
    plsc.subcore_barrier()

    def loop_body(g, _):
      for k in range(2):
        i = 2 * g + k
        s = k
        o = 1 - k

        wait_gather(s)

        if not bulk_src:
          @pl.when(i + 2 < R_PER_TILE)
          def _():
            prefetch_sidx(i + 2, s)

        start_scatter(i, s)

        @pl.when(i + 1 < R_PER_TILE)
        def _():
          @pl.when(i >= 1)
          def _():
            wait_scatter(o)
            if not bulk_src:
              wait_sidx(o)

          start_gather(i + 1, o)
      return 0

    lax.fori_loop(0, R_PER_TILE // 2, loop_body, 0)

    wait_scatter(0)
    wait_scatter(1)

    plsc.subcore_barrier()
    pltpu.sync_copy(acc.at[pl.ds(base, ROWS_PER_TILE)],
                    out_hbm.at[cid, pl.ds(base, ROWS_PER_TILE)])

  return _scatter_kernel


_scatter_128 = _make_scatter_kernel(D_H, bulk_src=False)
_scatter_64 = _make_scatter_kernel(D_OUT, bulk_src=True)


_BLK = 400
_GRID = N // _BLK


def _tc1_body(x_ref, w_ref, dout_ref, din_ref, xw_ref, rsin_ref, rsout_ref):
  rs_out = lax.rsqrt(jnp.maximum(dout_ref[0] + dout_ref[1], 1.0))
  rs_in = lax.rsqrt(jnp.maximum(din_ref[0] + din_ref[1], 1.0))
  rsout_ref[...] = rs_out
  rsin_ref[...] = rs_in
  xw = jnp.dot(x_ref[...], w_ref[...], preferred_element_type=jnp.float32)
  xw_ref[...] = xw * rs_out[:, 0:1]


def _tc1(x, w1, dout, din):
  return pl.pallas_call(
      _tc1_body,
      grid=(_GRID,),
      in_specs=[
          pl.BlockSpec((_BLK, D_IN), lambda i: (i, 0)),
          pl.BlockSpec((D_IN, D_H), lambda i: (0, 0)),
          pl.BlockSpec((NC, _BLK, 16), lambda i: (0, i, 0)),
          pl.BlockSpec((NC, _BLK, 16), lambda i: (0, i, 0)),
      ],
      out_specs=[
          pl.BlockSpec((_BLK, D_H), lambda i: (i, 0)),
          pl.BlockSpec((_BLK, 16), lambda i: (i, 0)),
          pl.BlockSpec((_BLK, 16), lambda i: (i, 0)),
      ],
      out_shape=[
          jax.ShapeDtypeStruct((N, D_H), jnp.float32),
          jax.ShapeDtypeStruct((N, 16), jnp.float32),
          jax.ShapeDtypeStruct((N, 16), jnp.float32),
      ],
  )(x, w1, dout, din)


def _tc2_body(p_ref, rsin_ref, b1_ref, w2_ref, rsout_ref, xw2_ref):
  agg = (p_ref[0] + p_ref[1]) * rsin_ref[...][:, 0:1]
  h = jnp.maximum(agg + b1_ref[...], 0.0)
  xw2 = jnp.dot(h, w2_ref[...], preferred_element_type=jnp.float32)
  xw2_ref[...] = xw2 * rsout_ref[...][:, 0:1]


def _tc2(parts1, rs_in, b1, w2, rs_out):
  return pl.pallas_call(
      _tc2_body,
      grid=(_GRID,),
      in_specs=[
          pl.BlockSpec((NC, _BLK, D_H), lambda i: (0, i, 0)),
          pl.BlockSpec((_BLK, 16), lambda i: (i, 0)),
          pl.BlockSpec((1, D_H), lambda i: (0, 0)),
          pl.BlockSpec((D_H, D_OUT), lambda i: (0, 0)),
          pl.BlockSpec((_BLK, 16), lambda i: (i, 0)),
      ],
      out_specs=pl.BlockSpec((_BLK, D_OUT), lambda i: (i, 0)),
      out_shape=jax.ShapeDtypeStruct((N, D_OUT), jnp.float32),
  )(parts1, rs_in, b1, w2, rs_out)


def _tc3_body(p_ref, rsin_ref, b2_ref, out_ref):
  agg = (p_ref[0] + p_ref[1]) * rsin_ref[...][:, 0:1]
  out_ref[...] = agg + b2_ref[...]


def _tc3(parts2, rs_in, b2):
  return pl.pallas_call(
      _tc3_body,
      grid=(_GRID,),
      in_specs=[
          pl.BlockSpec((NC, _BLK, D_OUT), lambda i: (0, i, 0)),
          pl.BlockSpec((_BLK, 16), lambda i: (i, 0)),
          pl.BlockSpec((1, D_OUT), lambda i: (0, 0)),
      ],
      out_specs=pl.BlockSpec((_BLK, D_OUT), lambda i: (i, 0)),
      out_shape=jax.ShapeDtypeStruct((N, D_OUT), jnp.float32),
  )(parts2, rs_in, b2)


def kernel(inputs, edge_index, W1, b1, W2, b2):
  pad = E_PAD - E
  trash = N + (jnp.arange(pad, dtype=jnp.int32) % 128)
  src = jnp.concatenate([edge_index[0],
                         jnp.arange(pad, dtype=jnp.int32) % 128])
  dst2 = jnp.concatenate([edge_index[1], trash]).reshape(EROWS, CHUNK)
  src2_deg = jnp.concatenate([edge_index[0], trash]).reshape(EROWS, CHUNK)
  ones16 = jnp.ones((CHUNK, 16), jnp.float32)
  zeros16 = jnp.zeros((ROWS_PER_TILE, 16), jnp.float32)
  zeros128 = jnp.zeros((ROWS_PER_TILE, D_H), jnp.float32)
  zeros64 = jnp.zeros((ROWS_PER_TILE, D_OUT), jnp.float32)

  dout, din = _deg_kernel(src2_deg, dst2, ones16, zeros16)
  xw1s, rs_in, rs_out = _tc1(inputs, W1, dout, din)
  parts1 = _scatter_128(xw1s, src, dst2, zeros128)
  xw2s = _tc2(parts1, rs_in, b1.reshape(1, D_H), W2, rs_out)
  parts2 = _scatter_64(xw2s, src.reshape(EROWS, CHUNK), dst2, zeros64)
  return _tc3(parts2, rs_in, b2.reshape(1, D_OUT))

# --- scband reference (transcript-rebuilt; emitter-appended) ---
"""Pipeline reference for scband-gcn-16295105921344 (READ-ONLY COPY).

The authoritative reference and input builder live on the scoring server;
editing this copy changes nothing except your own understanding.
"""

import jax, jax.numpy as jnp
import numpy as np

N = 10000
E = 320000
D_IN = 128
D_H = 128
D_OUT = 64


def setup_inputs(seed: int = 0) -> dict:
    key = jax.random.key(seed)
    k1, k2, k3, k4, k5, k6 = jax.random.split(key, 6)
    x = jax.random.normal(k1, (N, D_IN), dtype=jnp.float32)
    edge_index = jax.random.randint(k2, (2, E), 0, N, dtype=jnp.int32)
    W1 = jax.random.normal(k3, (D_IN, D_H), dtype=jnp.float32) * (1.0 / np.sqrt(D_IN))
    b1 = jnp.zeros((D_H,), dtype=jnp.float32)
    W2 = jax.random.normal(k4, (D_H, D_OUT), dtype=jnp.float32) * (1.0 / np.sqrt(D_H))
    b2 = jnp.zeros((D_OUT,), dtype=jnp.float32)
    return {"inputs": x, "edge_index": edge_index, "W1": W1, "b1": b1, "W2": W2, "b2": b2}


def _gcn_conv(x, edge_index, W, b):
    # DGL GraphConv with norm='both' (symmetric normalization):
    # h = D_out^{-1/2} A D_in^{-1/2} X W + b
    src = edge_index[0]
    dst = edge_index[1]
    n = x.shape[0]
    ones = jnp.ones((edge_index.shape[1],), dtype=x.dtype)
    deg_out = jnp.zeros((n,), dtype=x.dtype).at[src].add(ones)
    deg_in = jnp.zeros((n,), dtype=x.dtype).at[dst].add(ones)
    deg_out = jnp.clip(deg_out, 1.0, None)
    deg_in = jnp.clip(deg_in, 1.0, None)
    norm_src = jax.lax.rsqrt(deg_out)[src]
    norm_dst = jax.lax.rsqrt(deg_in)[dst]
    xw = x @ W
    msgs = xw[src] * (norm_src * norm_dst)[:, None]
    agg = jnp.zeros((n, W.shape[1]), dtype=x.dtype).at[dst].add(msgs)
    return agg + b


def reference(inputs, edge_index, W1, b1, W2, b2):
    h = _gcn_conv(inputs, edge_index, W1, b1)
    h = jax.nn.relu(h)
    h = _gcn_conv(h, edge_index, W2, b2)
    return h

if __name__ == "__main__":
    import jax
    _d = setup_inputs()
    print(jax.jit(kernel)(*tuple(_d.values())))

</pallas_src>

<mosaic_0001>
#map = affine_map<(d0, d1) -> (0, 0)>
#map1 = affine_map<(d0, d1) -> (0)>
#map2 = affine_map<(d0, d1) -> (0, 0, 0)>
module attributes {stable_mosaic.version = 14 : i64} {
  func.func @_scatter_kernel(%arg0: i32, %arg1: i32, %arg2: memref<10000x128xf32, #tpu.memory_space<hbm>>, %arg3: memref<327680xi32, #tpu.memory_space<hbm>>, %arg4: memref<2560x128xi32, #tpu.memory_space<hbm>>, %arg5: memref<640x128xf32, #tpu.memory_space<hbm>>, %arg6: memref<2x10240x128xf32, #tpu.memory_space<hbm>>, %arg7: memref<2x128xi32, #tpu.memory_space<vmem>>, %arg8: memref<80x128xi32, #tpu.memory_space<vmem>>, %arg9: memref<128x128xf32, #tpu.memory_space<vmem>>, %arg10: memref<128x128xf32, #tpu.memory_space<vmem>>, %arg11: memref<10240x128xf32, #tpu.memory_space<vmem_shared>>, %arg12: memref<!tpu.dma_semaphore, #tpu.memory_space<semaphore_mem>>, %arg13: memref<!tpu.dma_semaphore, #tpu.memory_space<semaphore_mem>>, %arg14: memref<!tpu.dma_semaphore, #tpu.memory_space<semaphore_mem>>, %arg15: memref<!tpu.dma_semaphore, #tpu.memory_space<semaphore_mem>>, %arg16: memref<!tpu.dma_semaphore, #tpu.memory_space<semaphore_mem>>, %arg17: memref<!tpu.dma_semaphore, #tpu.memory_space<semaphore_mem>>) attributes {dimension_semantics = [#tpu.dimension_semantics<core_parallel>, #tpu.dimension_semantics<subcore_parallel>], iteration_bounds = array<i64: 2, 16>, scalar_prefetch = 0 : i64, scratch_operands = 11 : i64, tpu.core_type = #tpu.core_type<sc_vector_subcore>, window_params = [{transform_indices = #map}, {transform_indices = #map1}, {transform_indices = #map}, {transform_indices = #map}, {transform_indices = #map2}]} {
    %mul3A = arith.constant 16 : i32
    %mul3A_0 = arith.muli %arg0, %mul3A : i32
    %add3A = arith.addi %mul3A_0, %arg1 : i32
    %mul3A_1 = arith.constant 640 : i32
    %mul3A_2 = arith.muli %arg1, %mul3A_1 : i32
    %mul3A_3 = arith.constant 80 : i32
    %mul3A_4 = arith.muli %add3A, %mul3A_3 : i32
    %mul3A_5 = arith.constant 128 : i32
    %mul3A_6 = arith.muli %mul3A_4, %mul3A_5 : i32
    %run_scoped3A = arith.constant 0 : i32
    "tpu.region"() ({
      %run_scoped3A_36 = tpu.sem_alloc : memref<!tpu.dma_semaphore, #tpu.memory_space<semaphore_mem>>
      %dma_start3A_37 = arith.constant 0 : i32
      %dma_start3A_38 = tpu.memref_slice %arg7[%run_scoped3A, %dma_start3A_37] : memref<2x128xi32, #tpu.memory_space<vmem>> -> memref<1x128xi32, #tpu.memory_space<vmem>>
      %dma_start3A_39 = tpu.memref_squeeze %dma_start3A_38 : memref<1x128xi32, #tpu.memory_space<vmem>> -> memref<128xi32, #tpu.memory_space<vmem>>
      %dma_start3A_40 = tpu.memref_slice %arg3[%mul3A_6] : memref<327680xi32, #tpu.memory_space<hbm>> -> memref<128xi32, #tpu.memory_space<hbm>>
      %dma_start3A_41 = arith.constant 0 : i32
      %dma_start3A_42 = tpu.memref_slice %arg7[%run_scoped3A, %dma_start3A_41] : memref<2x128xi32, #tpu.memory_space<vmem>> -> memref<1x128xi32, #tpu.memory_space<vmem>>
      %dma_start3A_43 = tpu.memref_squeeze %dma_start3A_42 : memref<1x128xi32, #tpu.memory_space<vmem>> -> memref<128xi32, #tpu.memory_space<vmem>>
      %dma_start3A_44 = tpu.memref_slice %arg3[%mul3A_6] : memref<327680xi32, #tpu.memory_space<hbm>> -> memref<128xi32, #tpu.memory_space<hbm>>
      tpu.enqueue_dma source(%dma_start3A_44 : memref<128xi32, #tpu.memory_space<hbm>>) target(%dma_start3A_43 : memref<128xi32, #tpu.memory_space<vmem>>) target_semaphore(%run_scoped3A_36 : memref<!tpu.dma_semaphore, #tpu.memory_space<semaphore_mem>>)
      %dma_wait3A_45 = arith.constant 0 : i32
      %dma_wait3A_46 = tpu.memref_slice %arg7[%run_scoped3A, %dma_wait3A_45] : memref<2x128xi32, #tpu.memory_space<vmem>> -> memref<1x128xi32, #tpu.memory_space<vmem>>
      %dma_wait3A_47 = tpu.memref_squeeze %dma_wait3A_46 : memref<1x128xi32, #tpu.memory_space<vmem>> -> memref<128xi32, #tpu.memory_space<vmem>>
      %dma_wait3A_48 = tpu.memref_slice %arg3[%mul3A_6] : memref<327680xi32, #tpu.memory_space<hbm>> -> memref<128xi32, #tpu.memory_space<hbm>>
      %dma_wait3A_49 = arith.constant 0 : i32
      %dma_wait3A_50 = tpu.memref_slice %arg7[%run_scoped3A, %dma_wait3A_49] : memref<2x128xi32, #tpu.memory_space<vmem>> -> memref<1x128xi32, #tpu.memory_space<vmem>>
      %dma_wait3A_51 = tpu.memref_squeeze %dma_wait3A_50 : memref<1x128xi32, #tpu.memory_space<vmem>> -> memref<128xi32, #tpu.memory_space<vmem>>
      %dma_wait3A_52 = tpu.memref_slice %arg3[%mul3A_6] : memref<327680xi32, #tpu.memory_space<hbm>> -> memref<128xi32, #tpu.memory_space<hbm>>
      tpu.wait_dma2 semaphore(%run_scoped3A_36 : memref<!tpu.dma_semaphore, #tpu.memory_space<semaphore_mem>>) src(%dma_wait3A_52 : memref<128xi32, #tpu.memory_space<hbm>>) dst(%dma_wait3A_51 : memref<128xi32, #tpu.memory_space<vmem>>)
      tpu.yield
    }) : () -> ()
    %dma_start3A = arith.constant 0 : i32
    %dma_start3A_7 = arith.constant 0 : i32
    %dma_start3A_8 = tpu.memref_slice %arg7[%dma_start3A, %dma_start3A_7] : memref<2x128xi32, #tpu.memory_space<vmem>> -> memref<1x128xi32, #tpu.memory_space<vmem>>
    %dma_start3A_9 = tpu.memref_squeeze %dma_start3A_8 : memref<1x128xi32, #tpu.memory_space<vmem>> -> memref<128xi32, #tpu.memory_space<vmem>>
    %dma_start3A_10 = arith.constant 0 : i32
    %dma_start3A_11 = arith.constant 0 : i32
    %dma_start3A_12 = tpu.memref_slice %arg2[%dma_start3A_10, %dma_start3A_11] : memref<10000x128xf32, #tpu.memory_space<hbm>> -> memref<10000x128xf32, #tpu.memory_space<hbm>>
    tpu.enqueue_indirect_dma source(%dma_start3A_12 : memref<10000x128xf32, #tpu.memory_space<hbm>>) target(%arg9 : memref<128x128xf32, #tpu.memory_space<vmem>>) offsets(%dma_start3A_9 : memref<128xi32, #tpu.memory_space<vmem>>) semaphore(%arg14 : memref<!tpu.dma_semaphore, #tpu.memory_space<semaphore_mem>>)
    %add3A_13 = arith.constant 128 : i32
    %add3A_14 = arith.addi %mul3A_6, %add3A_13 : i32
    %run_scoped3A_15 = arith.constant 1 : i32
    "tpu.region"() ({
      %run_scoped3A_36 = tpu.sem_alloc : memref<!tpu.dma_semaphore, #tpu.memory_space<semaphore_mem>>
      %dma_start3A_37 = arith.constant 0 : i32
      %dma_start3A_38 = tpu.memref_slice %arg7[%run_scoped3A_15, %dma_start3A_37] : memref<2x128xi32, #tpu.memory_space<vmem>> -> memref<1x128xi32, #tpu.memory_space<vmem>>
      %dma_start3A_39 = tpu.memref_squeeze %dma_start3A_38 : memref<1x128xi32, #tpu.memory_space<vmem>> -> memref<128xi32, #tpu.memory_space<vmem>>
      %dma_start3A_40 = tpu.memref_slice %arg3[%add3A_14] : memref<327680xi32, #tpu.memory_space<hbm>> -> memref<128xi32, #tpu.memory_space<hbm>>
      %dma_start3A_41 = arith.constant 0 : i32
      %dma_start3A_42 = tpu.memref_slice %arg7[%run_scoped3A_15, %dma_start3A_41] : memref<2x128xi32, #tpu.memory_space<vmem>> -> memref<1x128xi32, #tpu.memory_space<vmem>>
      %dma_start3A_43 = tpu.memref_squeeze %dma_start3A_42 : memref<1x128xi32, #tpu.memory_space<vmem>> -> memref<128xi32, #tpu.memory_space<vmem>>
      %dma_start3A_44 = tpu.memref_slice %arg3[%add3A_14] : memref<327680xi32, #tpu.memory_space<hbm>> -> memref<128xi32, #tpu.memory_space<hbm>>
      tpu.enqueue_dma source(%dma_start3A_44 : memref<128xi32, #tpu.memory_space<hbm>>) target(%dma_start3A_43 : memref<128xi32, #tpu.memory_space<vmem>>) target_semaphore(%run_scoped3A_36 : memref<!tpu.dma_semaphore, #tpu.memory_space<semaphore_mem>>)
      %dma_wait3A_45 = arith.constant 0 : i32
      %dma_wait3A_46 = tpu.memref_slice %arg7[%run_scoped3A_15, %dma_wait3A_45] : memref<2x128xi32, #tpu.memory_space<vmem>> -> memref<1x128xi32, #tpu.memory_space<vmem>>
      %dma_wait3A_47 = tpu.memref_squeeze %dma_wait3A_46 : memref<1x128xi32, #tpu.memory_space<vmem>> -> memref<128xi32, #tpu.memory_space<vmem>>
      %dma_wait3A_48 = tpu.memref_slice %arg3[%add3A_14] : memref<327680xi32, #tpu.memory_space<hbm>> -> memref<128xi32, #tpu.memory_space<hbm>>
      %dma_wait3A_49 = arith.constant 0 : i32
      %dma_wait3A_50 = tpu.memref_slice %arg7[%run_scoped3A_15, %dma_wait3A_49] : memref<2x128xi32, #tpu.memory_space<vmem>> -> memref<1x128xi32, #tpu.memory_space<vmem>>
      %dma_wait3A_51 = tpu.memref_squeeze %dma_wait3A_50 : memref<1x128xi32, #tpu.memory_space<vmem>> -> memref<128xi32, #tpu.memory_space<vmem>>
      %dma_wait3A_52 = tpu.memref_slice %arg3[%add3A_14] : memref<327680xi32, #tpu.memory_space<hbm>> -> memref<128xi32, #tpu.memory_space<hbm>>
      tpu.wait_dma2 semaphore(%run_scoped3A_36 : memref<!tpu.dma_semaphore, #tpu.memory_space<semaphore_mem>>) src(%dma_wait3A_52 : memref<128xi32, #tpu.memory_space<hbm>>) dst(%dma_wait3A_51 : memref<128xi32, #tpu.memory_space<vmem>>)
      tpu.yield
    }) : () -> ()
    "tpu.region"() ({
      %run_scoped3A_36 = tpu.sem_alloc : memref<!tpu.dma_semaphore, #tpu.memory_space<semaphore_mem>>
      %dma_start3A_37 = arith.constant 0 : i32
      %dma_start3A_38 = tpu.memref_slice %arg4[%mul3A_4, %dma_start3A_37] : memref<2560x128xi32, #tpu.memory_space<hbm>> -> memref<80x128xi32, #tpu.memory_space<hbm>>
      %dma_start3A_39 = arith.constant 0 : i32
      %dma_start3A_40 = tpu.memref_slice %arg4[%mul3A_4, %dma_start3A_39] : memref<2560x128xi32, #tpu.memory_space<hbm>> -> memref<80x128xi32, #tpu.memory_space<hbm>>
      tpu.enqueue_dma source(%dma_start3A_40 : memref<80x128xi32, #tpu.memory_space<hbm>>) target(%arg8 : memref<80x128xi32, #tpu.memory_space<vmem>>) target_semaphore(%run_scoped3A_36 : memref<!tpu.dma_semaphore, #tpu.memory_space<semaphore_mem>>)
      %dma_wait3A_41 = arith.constant 0 : i32
      %dma_wait3A_42 = tpu.memref_slice %arg4[%mul3A_4, %dma_wait3A_41] : memref<2560x128xi32, #tpu.memory_space<hbm>> -> memref<80x128xi32, #tpu.memory_space<hbm>>
      %dma_wait3A_43 = arith.constant 0 : i32
      %dma_wait3A_44 = tpu.memref_slice %arg4[%mul3A_4, %dma_wait3A_43] : memref<2560x128xi32, #tpu.memory_space<hbm>> -> memref<80x128xi32, #tpu.memory_space<hbm>>
      tpu.wait_dma2 semaphore(%run_scoped3A_36 : memref<!tpu.dma_semaphore, #tpu.memory_space<semaphore_mem>>) src(%dma_wait3A_44 : memref<80x128xi32, #tpu.memory_space<hbm>>) dst(%arg8 : memref<80x128xi32, #tpu.memory_space<vmem>>)
      tpu.yield
    }) : () -> ()
    "tpu.region"() ({
      %run_scoped3A_36 = tpu.sem_alloc : memref<!tpu.dma_semaphore, #tpu.memory_space<semaphore_mem>>
      %dma_start3A_37 = arith.constant 0 : i32
      %dma_start3A_38 = tpu.memref_slice %arg11[%mul3A_2, %dma_start3A_37] : memref<10240x128xf32, #tpu.memory_space<vmem_shared>> -> memref<640x128xf32, #tpu.memory_space<vmem_shared>>
      tpu.enqueue_dma source(%arg5 : memref<640x128xf32, #tpu.memory_space<hbm>>) target(%dma_start3A_38 : memref<640x128xf32, #tpu.memory_space<vmem_shared>>) target_semaphore(%run_scoped3A_36 : memref<!tpu.dma_semaphore, #tpu.memory_space<semaphore_mem>>)
      %dma_wait3A_39 = arith.constant 0 : i32
      %dma_wait3A_40 = tpu.memref_slice %arg11[%mul3A_2, %dma_wait3A_39] : memref<10240x128xf32, #tpu.memory_space<vmem_shared>> -> memref<640x128xf32, #tpu.memory_space<vmem_shared>>
      tpu.wait_dma2 semaphore(%run_scoped3A_36 : memref<!tpu.dma_semaphore, #tpu.memory_space<semaphore_mem>>) src(%arg5 : memref<640x128xf32, #tpu.memory_space<hbm>>) dst(%dma_wait3A_40 : memref<640x128xf32, #tpu.memory_space<vmem_shared>>)
      tpu.yield
    }) : () -> ()
    %barrier3A = arith.constant 0 : index
    tpu.barrier barrier_id(%barrier3A)
    %scan3A = arith.constant 0 : i32
    %scan3A_16 = arith.constant 0 : i32
    %scan3A_17 = arith.constant 40 : i32
    %scan3A_18 = arith.addi %scan3A_16, %scan3A_17 : i32
    %scan3A_19 = arith.constant 1 : i32
    %scan3A_20 = scf.for %scan3A_36 = %scan3A_16 to %scan3A_18 step %scan3A_19 iter_args(%scan3A_37 = %scan3A) -> (i32)  : i32 {
      %mul3A_38 = arith.constant 2 : i32
      %mul3A_39 = arith.muli %mul3A_38, %scan3A_36 : i32
      %add3A_40 = arith.constant 0 : i32
      %add3A_41 = arith.addi %mul3A_39, %add3A_40 : i32
      %dma_wait3A_42 = arith.constant 0 : i32
      %dma_wait3A_43 = arith.constant 0 : i32
      %dma_wait3A_44 = tpu.memref_slice %arg7[%dma_wait3A_42, %dma_wait3A_43] : memref<2x128xi32, #tpu.memory_space<vmem>> -> memref<1x128xi32, #tpu.memory_space<vmem>>
      %dma_wait3A_45 = tpu.memref_squeeze %dma_wait3A_44 : memref<1x128xi32, #tpu.memory_space<vmem>> -> memref<128xi32, #tpu.memory_space<vmem>>
      %dma_wait3A_46 = arith.constant 0 : i32
      %dma_wait3A_47 = arith.constant 0 : i32
      %dma_wait3A_48 = tpu.memref_slice %arg2[%dma_wait3A_46, %dma_wait3A_47] : memref<10000x128xf32, #tpu.memory_space<hbm>> -> memref<10000x128xf32, #tpu.memory_space<hbm>>
      tpu.wait_indirect_dma semaphore(%arg14 : memref<!tpu.dma_semaphore, #tpu.memory_space<semaphore_mem>>) src(%dma_wait3A_48 : memref<10000x128xf32, #tpu.memory_space<hbm>>) dst(%arg9 : memref<128x128xf32, #tpu.memory_space<vmem>>)
      %add3A_49 = arith.constant 2 : i32
      %add3A_50 = arith.addi %add3A_41, %add3A_49 : i32
      %lt3A = arith.constant 80 : i32
      %lt3A_51 = arith.cmpi slt, %add3A_50, %lt3A : i32
      %convert_element_type3A = arith.extui %lt3A_51 : i1 to i32
      %cond3A = arith.constant 0 : i32
      %cond3A_52 = arith.cmpi ne, %convert_element_type3A, %cond3A : i32
      scf.if %cond3A_52 {
        %add3A_98 = arith.constant 2 : i32
        %add3A_99 = arith.addi %add3A_41, %add3A_98 : i32
        %mul3A_100 = arith.constant 128 : i32
        %mul3A_101 = arith.muli %add3A_99, %mul3A_100 : i32
        %add3A_102 = arith.addi %mul3A_6, %mul3A_101 : i32
        %dma_start3A_103 = arith.constant 0 : i32
        %dma_start3A_104 = arith.constant 0 : i32
        %dma_start3A_105 = tpu.memref_slice %arg7[%dma_start3A_103, %dma_start3A_104] : memref<2x128xi32, #tpu.memory_space<vmem>> -> memref<1x128xi32, #tpu.memory_space<vmem>>
        %dma_start3A_106 = tpu.memref_squeeze %dma_start3A_105 : memref<1x128xi32, #tpu.memory_space<vmem>> -> memref<128xi32, #tpu.memory_space<vmem>>
        %dma_start3A_107 = tpu.memref_slice %arg3[%add3A_102] : memref<327680xi32, #tpu.memory_space<hbm>> -> memref<128xi32, #tpu.memory_space<hbm>>
        %dma_start3A_108 = arith.constant 0 : i32
        %dma_start3A_109 = tpu.memref_slice %arg7[%dma_start3A_103, %dma_start3A_108] : memref<2x128xi32, #tpu.memory_space<vmem>> -> memref<1x128xi32, #tpu.memory_space<vmem>>
        %dma_start3A_110 = tpu.memref_squeeze %dma_start3A_109 : memref<1x128xi32, #tpu.memory_space<vmem>> -> memref<128xi32, #tpu.memory_space<vmem>>
        %dma_start3A_111 = tpu.memref_slice %arg3[%add3A_102] : memref<327680xi32, #tpu.memory_space<hbm>> -> memref<128xi32, #tpu.memory_space<hbm>>
        tpu.enqueue_dma source(%dma_start3A_111 : memref<128xi32, #tpu.memory_space<hbm>>) target(%dma_start3A_110 : memref<128xi32, #tpu.memory_space<vmem>>) target_semaphore(%arg12 : memref<!tpu.dma_semaphore, #tpu.memory_space<semaphore_mem>>)
      } else {
      }
      %dma_start3A_53 = arith.constant 0 : i32
      %dma_start3A_54 = tpu.memref_slice %arg8[%add3A_41, %dma_start3A_53] : memref<80x128xi32, #tpu.memory_space<vmem>> -> memref<1x128xi32, #tpu.memory_space<vmem>>
      %dma_start3A_55 = tpu.memref_squeeze %dma_start3A_54 : memref<1x128xi32, #tpu.memory_space<vmem>> -> memref<128xi32, #tpu.memory_space<vmem>>
      %dma_start3A_56 = arith.constant 0 : i32
      %dma_start3A_57 = arith.constant 0 : i32
      %dma_start3A_58 = tpu.memref_slice %arg11[%dma_start3A_56, %dma_start3A_57] : memref<10240x128xf32, #tpu.memory_space<vmem_shared>> -> memref<10240x128xf32, #tpu.memory_space<vmem_shared>>
      tpu.enqueue_indirect_dma source(%arg9 : memref<128x128xf32, #tpu.memory_space<vmem>>) target(%dma_start3A_58 : memref<10240x128xf32, #tpu.memory_space<vmem_shared>>) offsets(%dma_start3A_55 : memref<128xi32, #tpu.memory_space<vmem>>) semaphore(%arg16 : memref<!tpu.dma_semaphore, #tpu.memory_space<semaphore_mem>>) {add = true}
      %add3A_59 = arith.constant 1 : i32
      %add3A_60 = arith.addi %add3A_41, %add3A_59 : i32
      %lt3A_61 = arith.constant 80 : i32
      %lt3A_62 = arith.cmpi slt, %add3A_60, %lt3A_61 : i32
      %convert_element_type3A_63 = arith.extui %lt3A_62 : i1 to i32
      %cond3A_64 = arith.constant 0 : i32
      %cond3A_65 = arith.cmpi ne, %convert_element_type3A_63, %cond3A_64 : i32
      scf.if %cond3A_65 {
        %ge3A = arith.constant 1 : i32
        %ge3A_98 = arith.cmpi sge, %add3A_41, %ge3A : i32
        %convert_element_type3A_99 = arith.extui %ge3A_98 : i1 to i32
        %cond3A_100 = arith.constant 0 : i32
        %cond3A_101 = arith.cmpi ne, %convert_element_type3A_99, %cond3A_100 : i32
        scf.if %cond3A_101 {
          %dma_wait3A_111 = arith.constant 0 : i32
          %dma_wait3A_112 = arith.constant 0 : i32
          %dma_wait3A_113 = tpu.memref_slice %arg8[%dma_wait3A_111, %dma_wait3A_112] : memref<80x128xi32, #tpu.memory_space<vmem>> -> memref<1x128xi32, #tpu.memory_space<vmem>>
          %dma_wait3A_114 = tpu.memref_squeeze %dma_wait3A_113 : memref<1x128xi32, #tpu.memory_space<vmem>> -> memref<128xi32, #tpu.memory_space<vmem>>
          %dma_wait3A_115 = arith.constant 0 : i32
          %dma_wait3A_116 = arith.constant 0 : i32
          %dma_wait3A_117 = tpu.memref_slice %arg11[%dma_wait3A_115, %dma_wait3A_116] : memref<10240x128xf32, #tpu.memory_space<vmem_shared>> -> memref<10240x128xf32, #tpu.memory_space<vmem_shared>>
          tpu.wait_indirect_dma semaphore(%arg17 : memref<!tpu.dma_semaphore, #tpu.memory_space<semaphore_mem>>) src(%arg10 : memref<128x128xf32, #tpu.memory_space<vmem>>) dst(%dma_wait3A_117 : memref<10240x128xf32, #tpu.memory_space<vmem_shared>>)
          %dma_wait3A_118 = arith.constant 1 : i32
          %dma_wait3A_119 = arith.constant 0 : i32
          %dma_wait3A_120 = tpu.memref_slice %arg7[%dma_wait3A_118, %dma_wait3A_119] : memref<2x128xi32, #tpu.memory_space<vmem>> -> memref<1x128xi32, #tpu.memory_space<vmem>>
          %dma_wait3A_121 = tpu.memref_squeeze %dma_wait3A_120 : memref<1x128xi32, #tpu.memory_space<vmem>> -> memref<128xi32, #tpu.memory_space<vmem>>
          %dma_wait3A_122 = tpu.memref_slice %arg3[%mul3A_6] : memref<327680xi32, #tpu.memory_space<hbm>> -> memref<128xi32, #tpu.memory_space<hbm>>
          %dma_wait3A_123 = arith.constant 0 : i32
          %dma_wait3A_124 = tpu.memref_slice %arg7[%dma_wait3A_118, %dma_wait3A_123] : memref<2x128xi32, #tpu.memory_space<vmem>> -> memref<1x128xi32, #tpu.memory_space<vmem>>
          %dma_wait3A_125 = tpu.memref_squeeze %dma_wait3A_124 : memref<1x128xi32, #tpu.memory_space<vmem>> -> memref<128xi32, #tpu.memory_space<vmem>>
          %dma_wait3A_126 = tpu.memref_slice %arg3[%mul3A_6] : memref<327680xi32, #tpu.memory_space<hbm>> -> memref<128xi32, #tpu.memory_space<hbm>>
          tpu.wait_dma2 semaphore(%arg13 : memref<!tpu.dma_semaphore, #tpu.memory_space<semaphore_mem>>) src(%dma_wait3A_126 : memref<128xi32, #tpu.memory_space<hbm>>) dst(%dma_wait3A_125 : memref<128xi32, #tpu.memory_space<vmem>>)
        } else {
        }
        %add3A_102 = arith.constant 1 : i32
        %add3A_103 = arith.addi %add3A_41, %add3A_102 : i32
        %dma_start3A_104 = arith.constant 1 : i32
        %dma_start3A_105 = arith.constant 0 : i32
        %dma_start3A_106 = tpu.memref_slice %arg7[%dma_start3A_104, %dma_start3A_105] : memref<2x128xi32, #tpu.memory_space<vmem>> -> memref<1x128xi32, #tpu.memory_space<vmem>>
        %dma_start3A_107 = tpu.memref_squeeze %dma_start3A_106 : memref<1x128xi32, #tpu.memory_space<vmem>> -> memref<128xi32, #tpu.memory_space<vmem>>
        %dma_start3A_108 = arith.constant 0 : i32
        %dma_start3A_109 = arith.constant 0 : i32
        %dma_start3A_110 = tpu.memref_slice %arg2[%dma_start3A_108, %dma_start3A_109] : memref<10000x128xf32, #tpu.memory_space<hbm>> -> memref<10000x128xf32, #tpu.memory_space<hbm>>
        tpu.enqueue_indirect_dma source(%dma_start3A_110 : memref<10000x128xf32, #tpu.memory_space<hbm>>) target(%arg10 : memref<128x128xf32, #tpu.memory_space<vmem>>) offsets(%dma_start3A_107 : memref<128xi32, #tpu.memory_space<vmem>>) semaphore(%arg15 : memref<!tpu.dma_semaphore, #tpu.memory_space<semaphore_mem>>)
      } else {
      }
      %mul3A_66 = arith.constant 2 : i32
      %mul3A_67 = arith.muli %mul3A_66, %scan3A_36 : i32
      %add3A_68 = arith.constant 1 : i32
      %add3A_69 = arith.addi %mul3A_67, %add3A_68 : i32
      %dma_wait3A_70 = arith.constant 1 : i32
      %dma_wait3A_71 = arith.constant 0 : i32
      %dma_wait3A_72 = tpu.memref_slice %arg7[%dma_wait3A_70, %dma_wait3A_71] : memref<2x128xi32, #tpu.memory_space<vmem>> -> memref<1x128xi32, #tpu.memory_space<vmem>>
      %dma_wait3A_73 = tpu.memref_squeeze %dma_wait3A_72 : memref<1x128xi32, #tpu.memory_space<vmem>> -> memref<128xi32, #tpu.memory_space<vmem>>
      %dma_wait3A_74 = arith.constant 0 : i32
      %dma_wait3A_75 = arith.constant 0 : i32
      %dma_wait3A_76 = tpu.memref_slice %arg2[%dma_wait3A_74, %dma_wait3A_75] : memref<10000x128xf32, #tpu.memory_space<hbm>> -> memref<10000x128xf32, #tpu.memory_space<hbm>>
      tpu.wait_indirect_dma semaphore(%arg15 : memref<!tpu.dma_semaphore, #tpu.memory_space<semaphore_mem>>) src(%dma_wait3A_76 : memref<10000x128xf32, #tpu.memory_space<hbm>>) dst(%arg10 : memref<128x128xf32, #tpu.memory_space<vmem>>)
      %add3A_77 = arith.constant 2 : i32
      %add3A_78 = arith.addi %add3A_69, %add3A_77 : i32
      %lt3A_79 = arith.constant 80 : i32
      %lt3A_80 = arith.cmpi slt, %add3A_78, %lt3A_79 : i32
      %convert_element_type3A_81 = arith.extui %lt3A_80 : i1 to i32
      %cond3A_82 = arith.constant 0 : i32
      %cond3A_83 = arith.cmpi ne, %convert_element_type3A_81, %cond3A_82 : i32
      scf.if %cond3A_83 {
        %add3A_98 = arith.constant 2 : i32
        %add3A_99 = arith.addi %add3A_69, %add3A_98 : i32
        %mul3A_100 = arith.constant 128 : i32
        %mul3A_101 = arith.muli %add3A_99, %mul3A_100 : i32
        %add3A_102 = arith.addi %mul3A_6, %mul3A_101 : i32
        %dma_start3A_103 = arith.constant 1 : i32
        %dma_start3A_104 = arith.constant 0 : i32
        %dma_start3A_105 = tpu.memref_slice %arg7[%dma_start3A_103, %dma_start3A_104] : memref<2x128xi32, #tpu.memory_space<vmem>> -> memref<1x128xi32, #tpu.memory_space<vmem>>
        %dma_start3A_106 = tpu.memref_squeeze %dma_start3A_105 : memref<1x128xi32, #tpu.memory_space<vmem>> -> memref<128xi32, #tpu.memory_space<vmem>>
        %dma_start3A_107 = tpu.memref_slice %arg3[%add3A_102] : memref<327680xi32, #tpu.memory_space<hbm>> -> memref<128xi32, #tpu.memory_space<hbm>>
        %dma_start3A_108 = arith.constant 0 : i32
        %dma_start3A_109 = tpu.memref_slice %arg7[%dma_start3A_103, %dma_start3A_108] : memref<2x128xi32, #tpu.memory_space<vmem>> -> memref<1x128xi32, #tpu.memory_space<vmem>>
        %dma_start3A_110 = tpu.memref_squeeze %dma_start3A_109 : memref<1x128xi32, #tpu.memory_space<vmem>> -> memref<128xi32, #tpu.memory_space<vmem>>
        %dma_start3A_111 = tpu.memref_slice %arg3[%add3A_102] : memref<327680xi32, #tpu.memory_space<hbm>> -> memref<128xi32, #tpu.memory_space<hbm>>
        tpu.enqueue_dma source(%dma_start3A_111 : memref<128xi32, #tpu.memory_space<hbm>>) target(%dma_start3A_110 : memref<128xi32, #tpu.memory_space<vmem>>) target_semaphore(%arg13 : memref<!tpu.dma_semaphore, #tpu.memory_space<semaphore_mem>>)
      } else {
      }
      %dma_start3A_84 = arith.constant 0 : i32
      %dma_start3A_85 = tpu.memref_slice %arg8[%add3A_69, %dma_start3A_84] : memref<80x128xi32, #tpu.memory_space<vmem>> -> memref<1x128xi32, #tpu.memory_space<vmem>>
      %dma_start3A_86 = tpu.memref_squeeze %dma_start3A_85 : memref<1x128xi32, #tpu.memory_space<vmem>> -> memref<128xi32, #tpu.memory_space<vmem>>
      %dma_start3A_87 = arith.constant 0 : i32
      %dma_start3A_88 = arith.constant 0 : i32
      %dma_start3A_89 = tpu.memref_slice %arg11[%dma_start3A_87, %dma_start3A_88] : memref<10240x128xf32, #tpu.memory_space<vmem_shared>> -> memref<10240x128xf32, #tpu.memory_space<vmem_shared>>
      tpu.enqueue_indirect_dma source(%arg10 : memref<128x128xf32, #tpu.memory_space<vmem>>) target(%dma_start3A_89 : memref<10240x128xf32, #tpu.memory_space<vmem_shared>>) offsets(%dma_start3A_86 : memref<128xi32, #tpu.memory_space<vmem>>) semaphore(%arg17 : memref<!tpu.dma_semaphore, #tpu.memory_space<semaphore_mem>>) {add = true}
      %add3A_90 = arith.constant 1 : i32
      %add3A_91 = arith.addi %add3A_69, %add3A_90 : i32
      %lt3A_92 = arith.constant 80 : i32
      %lt3A_93 = arith.cmpi slt, %add3A_91, %lt3A_92 : i32
      %convert_element_type3A_94 = arith.extui %lt3A_93 : i1 to i32
      %cond3A_95 = arith.constant 0 : i32
      %cond3A_96 = arith.cmpi ne, %convert_element_type3A_94, %cond3A_95 : i32
      scf.if %cond3A_96 {
        %ge3A = arith.constant 1 : i32
        %ge3A_98 = arith.cmpi sge, %add3A_69, %ge3A : i32
        %convert_element_type3A_99 = arith.extui %ge3A_98 : i1 to i32
        %cond3A_100 = arith.constant 0 : i32
        %cond3A_101 = arith.cmpi ne, %convert_element_type3A_99, %cond3A_100 : i32
        scf.if %cond3A_101 {
          %dma_wait3A_111 = arith.constant 0 : i32
          %dma_wait3A_112 = arith.constant 0 : i32
          %dma_wait3A_113 = tpu.memref_slice %arg8[%dma_wait3A_111, %dma_wait3A_112] : memref<80x128xi32, #tpu.memory_space<vmem>> -> memref<1x128xi32, #tpu.memory_space<vmem>>
          %dma_wait3A_114 = tpu.memref_squeeze %dma_wait3A_113 : memref<1x128xi32, #tpu.memory_space<vmem>> -> memref<128xi32, #tpu.memory_space<vmem>>
          %dma_wait3A_115 = arith.constant 0 : i32
          %dma_wait3A_116 = arith.constant 0 : i32
          %dma_wait3A_117 = tpu.memref_slice %arg11[%dma_wait3A_115, %dma_wait3A_116] : memref<10240x128xf32, #tpu.memory_space<vmem_shared>> -> memref<10240x128xf32, #tpu.memory_space<vmem_shared>>
          tpu.wait_indirect_dma semaphore(%arg16 : memref<!tpu.dma_semaphore, #tpu.memory_space<semaphore_mem>>) src(%arg9 : memref<128x128xf32, #tpu.memory_space<vmem>>) dst(%dma_wait3A_117 : memref<10240x128xf32, #tpu.memory_space<vmem_shared>>)
          %dma_wait3A_118 = arith.constant 0 : i32
          %dma_wait3A_119 = arith.constant 0 : i32
          %dma_wait3A_120 = tpu.memref_slice %arg7[%dma_wait3A_118, %dma_wait3A_119] : memref<2x128xi32, #tpu.memory_space<vmem>> -> memref<1x128xi32, #tpu.memory_space<vmem>>
          %dma_wait3A_121 = tpu.memref_squeeze %dma_wait3A_120 : memref<1x128xi32, #tpu.memory_space<vmem>> -> memref<128xi32, #tpu.memory_space<vmem>>
          %dma_wait3A_122 = tpu.memref_slice %arg3[%mul3A_6] : memref<327680xi32, #tpu.memory_space<hbm>> -> memref<128xi32, #tpu.memory_space<hbm>>
          %dma_wait3A_123 = arith.constant 0 : i32
          %dma_wait3A_124 = tpu.memref_slice %arg7[%dma_wait3A_118, %dma_wait3A_123] : memref<2x128xi32, #tpu.memory_space<vmem>> -> memref<1x128xi32, #tpu.memory_space<vmem>>
          %dma_wait3A_125 = tpu.memref_squeeze %dma_wait3A_124 : memref<1x128xi32, #tpu.memory_space<vmem>> -> memref<128xi32, #tpu.memory_space<vmem>>
          %dma_wait3A_126 = tpu.memref_slice %arg3[%mul3A_6] : memref<327680xi32, #tpu.memory_space<hbm>> -> memref<128xi32, #tpu.memory_space<hbm>>
          tpu.wait_dma2 semaphore(%arg12 : memref<!tpu.dma_semaphore, #tpu.memory_space<semaphore_mem>>) src(%dma_wait3A_126 : memref<128xi32, #tpu.memory_space<hbm>>) dst(%dma_wait3A_125 : memref<128xi32, #tpu.memory_space<vmem>>)
        } else {
        }
        %add3A_102 = arith.constant 1 : i32
        %add3A_103 = arith.addi %add3A_69, %add3A_102 : i32
        %dma_start3A_104 = arith.constant 0 : i32
        %dma_start3A_105 = arith.constant 0 : i32
        %dma_start3A_106 = tpu.memref_slice %arg7[%dma_start3A_104, %dma_start3A_105] : memref<2x128xi32, #tpu.memory_space<vmem>> -> memref<1x128xi32, #tpu.memory_space<vmem>>
        %dma_start3A_107 = tpu.memref_squeeze %dma_start3A_106 : memref<1x128xi32, #tpu.memory_space<vmem>> -> memref<128xi32, #tpu.memory_space<vmem>>
        %dma_start3A_108 = arith.constant 0 : i32
        %dma_start3A_109 = arith.constant 0 : i32
        %dma_start3A_110 = tpu.memref_slice %arg2[%dma_start3A_108, %dma_start3A_109] : memref<10000x128xf32, #tpu.memory_space<hbm>> -> memref<10000x128xf32, #tpu.memory_space<hbm>>
        tpu.enqueue_indirect_dma source(%dma_start3A_110 : memref<10000x128xf32, #tpu.memory_space<hbm>>) target(%arg9 : memref<128x128xf32, #tpu.memory_space<vmem>>) offsets(%dma_start3A_107 : memref<128xi32, #tpu.memory_space<vmem>>) semaphore(%arg14 : memref<!tpu.dma_semaphore, #tpu.memory_space<semaphore_mem>>)
      } else {
      }
      %scan3A_97 = arith.constant 0 : i32
      scf.yield %scan3A_97 : i32
    }
    %scan3A_21 = arith.constant 40 : i32
    %dma_wait3A = arith.constant 0 : i32
    %dma_wait3A_22 = arith.constant 0 : i32
    %dma_wait3A_23 = tpu.memref_slice %arg8[%dma_wait3A, %dma_wait3A_22] : memref<80x128xi32, #tpu.memory_space<vmem>> -> memref<1x128xi32, #tpu.memory_space<vmem>>
    %dma_wait3A_24 = tpu.memref_squeeze %dma_wait3A_23 : memref<1x128xi32, #tpu.memory_space<vmem>> -> memref<128xi32, #tpu.memory_space<vmem>>
    %dma_wait3A_25 = arith.constant 0 : i32
    %dma_wait3A_26 = arith.constant 0 : i32
    %dma_wait3A_27 = tpu.memref_slice %arg11[%dma_wait3A_25, %dma_wait3A_26] : memref<10240x128xf32, #tpu.memory_space<vmem_shared>> -> memref<10240x128xf32, #tpu.memory_space<vmem_shared>>
    tpu.wait_indirect_dma semaphore(%arg16 : memref<!tpu.dma_semaphore, #tpu.memory_space<semaphore_mem>>) src(%arg9 : memref<128x128xf32, #tpu.memory_space<vmem>>) dst(%dma_wait3A_27 : memref<10240x128xf32, #tpu.memory_space<vmem_shared>>)
    %dma_wait3A_28 = arith.constant 0 : i32
    %dma_wait3A_29 = arith.constant 0 : i32
    %dma_wait3A_30 = tpu.memref_slice %arg8[%dma_wait3A_28, %dma_wait3A_29] : memref<80x128xi32, #tpu.memory_space<vmem>> -> memref<1x128xi32, #tpu.memory_space<vmem>>
    %dma_wait3A_31 = tpu.memref_squeeze %dma_wait3A_30 : memref<1x128xi32, #tpu.memory_space<vmem>> -> memref<128xi32, #tpu.memory_space<vmem>>
    %dma_wait3A_32 = arith.constant 0 : i32
    %dma_wait3A_33 = arith.constant 0 : i32
    %dma_wait3A_34 = tpu.memref_slice %arg11[%dma_wait3A_32, %dma_wait3A_33] : memref<10240x128xf32, #tpu.memory_space<vmem_shared>> -> memref<10240x128xf32, #tpu.memory_space<vmem_shared>>
    tpu.wait_indirect_dma semaphore(%arg17 : memref<!tpu.dma_semaphore, #tpu.memory_space<semaphore_mem>>) src(%arg10 : memref<128x128xf32, #tpu.memory_space<vmem>>) dst(%dma_wait3A_34 : memref<10240x128xf32, #tpu.memory_space<vmem_shared>>)
    %barrier3A_35 = arith.constant 0 : index
    tpu.barrier barrier_id(%barrier3A_35)
    "tpu.region"() ({
      %run_scoped3A_36 = tpu.sem_alloc : memref<!tpu.dma_semaphore, #tpu.memory_space<semaphore_mem>>
      %dma_start3A_37 = arith.constant 0 : i32
      %dma_start3A_38 = tpu.memref_slice %arg6[%arg0, %mul3A_2, %dma_start3A_37] : memref<2x10240x128xf32, #tpu.memory_space<hbm>> -> memref<1x640x128xf32, #tpu.memory_space<hbm>>
      %dma_start3A_39 = tpu.memref_squeeze %dma_start3A_38 : memref<1x640x128xf32, #tpu.memory_space<hbm>> -> memref<640x128xf32, #tpu.memory_space<hbm>>
      %dma_start3A_40 = arith.constant 0 : i32
      %dma_start3A_41 = tpu.memref_slice %arg11[%mul3A_2, %dma_start3A_40] : memref<10240x128xf32, #tpu.memory_space<vmem_shared>> -> memref<640x128xf32, #tpu.memory_space<vmem_shared>>
      tpu.enqueue_dma source(%dma_start3A_41 : memref<640x128xf32, #tpu.memory_space<vmem_shared>>) target(%dma_start3A_39 : memref<640x128xf32, #tpu.memory_space<hbm>>) target_semaphore(%run_scoped3A_36 : memref<!tpu.dma_semaphore, #tpu.memory_space<semaphore_mem>>)
      %dma_wait3A_42 = arith.constant 0 : i32
      %dma_wait3A_43 = tpu.memref_slice %arg6[%arg0, %mul3A_2, %dma_wait3A_42] : memref<2x10240x128xf32, #tpu.memory_space<hbm>> -> memref<1x640x128xf32, #tpu.memory_space<hbm>>
      %dma_wait3A_44 = tpu.memref_squeeze %dma_wait3A_43 : memref<1x640x128xf32, #tpu.memory_space<hbm>> -> memref<640x128xf32, #tpu.memory_space<hbm>>
      %dma_wait3A_45 = arith.constant 0 : i32
      %dma_wait3A_46 = tpu.memref_slice %arg11[%mul3A_2, %dma_wait3A_45] : memref<10240x128xf32, #tpu.memory_space<vmem_shared>> -> memref<640x128xf32, #tpu.memory_space<vmem_shared>>
      tpu.wait_dma2 semaphore(%run_scoped3A_36 : memref<!tpu.dma_semaphore, #tpu.memory_space<semaphore_mem>>) src(%dma_wait3A_46 : memref<640x128xf32, #tpu.memory_space<vmem_shared>>) dst(%dma_wait3A_44 : memref<640x128xf32, #tpu.memory_space<hbm>>)
      tpu.yield
    }) : () -> ()
    return
  }
}

#map = affine_map<(d0, d1) -> (0, 0)>
#map1 = affine_map<(d0, d1) -> (0, 0, 0)>
module attributes {stable_mosaic.version = 14 : i64} {
  func.func @_deg_kernel(%arg0: i32, %arg1: i32, %arg2: memref<2560x128xi32, #tpu.memory_space<hbm>>, %arg3: memref<2560x128xi32, #tpu.memory_space<hbm>>, %arg4: memref<128x16xf32, #tpu.memory_space<hbm>>, %arg5: memref<640x16xf32, #tpu.memory_space<hbm>>, %arg6: memref<2x10240x16xf32, #tpu.memory_space<hbm>>, %arg7: memref<2x10240x16xf32, #tpu.memory_space<hbm>>, %arg8: memref<80x128xi32, #tpu.memory_space<vmem>>, %arg9: memref<80x128xi32, #tpu.memory_space<vmem>>, %arg10: memref<128x16xf32, #tpu.memory_space<vmem>>, %arg11: memref<10240x16xf32, #tpu.memory_space<vmem_shared>>, %arg12: memref<10240x16xf32, #tpu.memory_space<vmem_shared>>, %arg13: memref<!tpu.dma_semaphore, #tpu.memory_space<semaphore_mem>>, %arg14: memref<!tpu.dma_semaphore, #tpu.memory_space<semaphore_mem>>, %arg15: memref<!tpu.dma_semaphore, #tpu.memory_space<semaphore_mem>>, %arg16: memref<!tpu.dma_semaphore, #tpu.memory_space<semaphore_mem>>, %arg17: memref<!tpu.dma_semaphore, #tpu.memory_space<semaphore_mem>>, %arg18: memref<!tpu.dma_semaphore, #tpu.memory_space<semaphore_mem>>, %arg19: memref<!tpu.dma_semaphore, #tpu.memory_space<semaphore_mem>>, %arg20: memref<!tpu.dma_semaphore, #tpu.memory_space<semaphore_mem>>) attributes {dimension_semantics = [#tpu.dimension_semantics<core_parallel>, #tpu.dimension_semantics<subcore_parallel>], iteration_bounds = array<i64: 2, 16>, scalar_prefetch = 0 : i64, scratch_operands = 13 : i64, tpu.core_type = #tpu.core_type<sc_vector_subcore>, window_params = [{transform_indices = #map}, {transform_indices = #map}, {transform_indices = #map}, {transform_indices = #map}, {transform_indices = #map1}, {transform_indices = #map1}]} {
    %mul3A = arith.constant 16 : i32
    %mul3A_0 = arith.muli %arg0, %mul3A : i32
    %add3A = arith.addi %mul3A_0, %arg1 : i32
    %mul3A_1 = arith.constant 640 : i32
    %mul3A_2 = arith.muli %arg1, %mul3A_1 : i32
    %mul3A_3 = arith.constant 80 : i32
    %mul3A_4 = arith.muli %add3A, %mul3A_3 : i32
    "tpu.region"() ({
      %run_scoped3A = tpu.sem_alloc : memref<!tpu.dma_semaphore, #tpu.memory_space<semaphore_mem>>
      %dma_start3A = arith.constant 0 : i32
      %dma_start3A_67 = tpu.memref_slice %arg2[%mul3A_4, %dma_start3A] : memref<2560x128xi32, #tpu.memory_space<hbm>> -> memref<80x128xi32, #tpu.memory_space<hbm>>
      %dma_start3A_68 = arith.constant 0 : i32
      %dma_start3A_69 = tpu.memref_slice %arg2[%mul3A_4, %dma_start3A_68] : memref<2560x128xi32, #tpu.memory_space<hbm>> -> memref<80x128xi32, #tpu.memory_space<hbm>>
      tpu.enqueue_dma source(%dma_start3A_69 : memref<80x128xi32, #tpu.memory_space<hbm>>) target(%arg8 : memref<80x128xi32, #tpu.memory_space<vmem>>) target_semaphore(%run_scoped3A : memref<!tpu.dma_semaphore, #tpu.memory_space<semaphore_mem>>)
      %dma_wait3A_70 = arith.constant 0 : i32
      %dma_wait3A_71 = tpu.memref_slice %arg2[%mul3A_4, %dma_wait3A_70] : memref<2560x128xi32, #tpu.memory_space<hbm>> -> memref<80x128xi32, #tpu.memory_space<hbm>>
      %dma_wait3A_72 = arith.constant 0 : i32
      %dma_wait3A_73 = tpu.memref_slice %arg2[%mul3A_4, %dma_wait3A_72] : memref<2560x128xi32, #tpu.memory_space<hbm>> -> memref<80x128xi32, #tpu.memory_space<hbm>>
      tpu.wait_dma2 semaphore(%run_scoped3A : memref<!tpu.dma_semaphore, #tpu.memory_space<semaphore_mem>>) src(%dma_wait3A_73 : memref<80x128xi32, #tpu.memory_space<hbm>>) dst(%arg8 : memref<80x128xi32, #tpu.memory_space<vmem>>)
      tpu.yield
    }) : () -> ()
    "tpu.region"() ({
      %run_scoped3A = tpu.sem_alloc : memref<!tpu.dma_semaphore, #tpu.memory_space<semaphore_mem>>
      %dma_start3A = arith.constant 0 : i32
      %dma_start3A_67 = tpu.memref_slice %arg3[%mul3A_4, %dma_start3A] : memref<2560x128xi32, #tpu.memory_space<hbm>> -> memref<80x128xi32, #tpu.memory_space<hbm>>
      %dma_start3A_68 = arith.constant 0 : i32
      %dma_start3A_69 = tpu.memref_slice %arg3[%mul3A_4, %dma_start3A_68] : memref<2560x128xi32, #tpu.memory_space<hbm>> -> memref<80x128xi32, #tpu.memory_space<hbm>>
      tpu.enqueue_dma source(%dma_start3A_69 : memref<80x128xi32, #tpu.memory_space<hbm>>) target(%arg9 : memref<80x128xi32, #tpu.memory_space<vmem>>) target_semaphore(%run_scoped3A : memref<!tpu.dma_semaphore, #tpu.memory_space<semaphore_mem>>)
      %dma_wait3A_70 = arith.constant 0 : i32
      %dma_wait3A_71 = tpu.memref_slice %arg3[%mul3A_4, %dma_wait3A_70] : memref<2560x128xi32, #tpu.memory_space<hbm>> -> memref<80x128xi32, #tpu.memory_space<hbm>>
      %dma_wait3A_72 = arith.constant 0 : i32
      %dma_wait3A_73 = tpu.memref_slice %arg3[%mul3A_4, %dma_wait3A_72] : memref<2560x128xi32, #tpu.memory_space<hbm>> -> memref<80x128xi32, #tpu.memory_space<hbm>>
      tpu.wait_dma2 semaphore(%run_scoped3A : memref<!tpu.dma_semaphore, #tpu.memory_space<semaphore_mem>>) src(%dma_wait3A_73 : memref<80x128xi32, #tpu.memory_space<hbm>>) dst(%arg9 : memref<80x128xi32, #tpu.memory_space<vmem>>)
      tpu.yield
    }) : () -> ()
    "tpu.region"() ({
      %run_scoped3A = tpu.sem_alloc : memref<!tpu.dma_semaphore, #tpu.memory_space<semaphore_mem>>
      tpu.enqueue_dma source(%arg4 : memref<128x16xf32, #tpu.memory_space<hbm>>) target(%arg10 : memref<128x16xf32, #tpu.memory_space<vmem>>) target_semaphore(%run_scoped3A : memref<!tpu.dma_semaphore, #tpu.memory_space<semaphore_mem>>)
      tpu.wait_dma2 semaphore(%run_scoped3A : memref<!tpu.dma_semaphore, #tpu.memory_space<semaphore_mem>>) src(%arg4 : memref<128x16xf32, #tpu.memory_space<hbm>>) dst(%arg10 : memref<128x16xf32, #tpu.memory_space<vmem>>)
      tpu.yield
    }) : () -> ()
    "tpu.region"() ({
      %run_scoped3A = tpu.sem_alloc : memref<!tpu.dma_semaphore, #tpu.memory_space<semaphore_mem>>
      %dma_start3A = arith.constant 0 : i32
      %dma_start3A_67 = tpu.memref_slice %arg11[%mul3A_2, %dma_start3A] : memref<10240x16xf32, #tpu.memory_space<vmem_shared>> -> memref<640x16xf32, #tpu.memory_space<vmem_shared>>
      tpu.enqueue_dma source(%arg5 : memref<640x16xf32, #tpu.memory_space<hbm>>) target(%dma_start3A_67 : memref<640x16xf32, #tpu.memory_space<vmem_shared>>) target_semaphore(%run_scoped3A : memref<!tpu.dma_semaphore, #tpu.memory_space<semaphore_mem>>)
      %dma_wait3A_68 = arith.constant 0 : i32
      %dma_wait3A_69 = tpu.memref_slice %arg11[%mul3A_2, %dma_wait3A_68] : memref<10240x16xf32, #tpu.memory_space<vmem_shared>> -> memref<640x16xf32, #tpu.memory_space<vmem_shared>>
      tpu.wait_dma2 semaphore(%run_scoped3A : memref<!tpu.dma_semaphore, #tpu.memory_space<semaphore_mem>>) src(%arg5 : memref<640x16xf32, #tpu.memory_space<hbm>>) dst(%dma_wait3A_69 : memref<640x16xf32, #tpu.memory_space<vmem_shared>>)
      tpu.yield
    }) : () -> ()
    "tpu.region"() ({
      %run_scoped3A = tpu.sem_alloc : memref<!tpu.dma_semaphore, #tpu.memory_space<semaphore_mem>>
      %dma_start3A = arith.constant 0 : i32
      %dma_start3A_67 = tpu.memref_slice %arg12[%mul3A_2, %dma_start3A] : memref<10240x16xf32, #tpu.memory_space<vmem_shared>> -> memref<640x16xf32, #tpu.memory_space<vmem_shared>>
      tpu.enqueue_dma source(%arg5 : memref<640x16xf32, #tpu.memory_space<hbm>>) target(%dma_start3A_67 : memref<640x16xf32, #tpu.memory_space<vmem_shared>>) target_semaphore(%run_scoped3A : memref<!tpu.dma_semaphore, #tpu.memory_space<semaphore_mem>>)
      %dma_wait3A_68 = arith.constant 0 : i32
      %dma_wait3A_69 = tpu.memref_slice %arg12[%mul3A_2, %dma_wait3A_68] : memref<10240x16xf32, #tpu.memory_space<vmem_shared>> -> memref<640x16xf32, #tpu.memory_space<vmem_shared>>
      tpu.wait_dma2 semaphore(%run_scoped3A : memref<!tpu.dma_semaphore, #tpu.memory_space<semaphore_mem>>) src(%arg5 : memref<640x16xf32, #tpu.memory_space<hbm>>) dst(%dma_wait3A_69 : memref<640x16xf32, #tpu.memory_space<vmem_shared>>)
      tpu.yield
    }) : () -> ()
    %barrier3A = arith.constant 0 : index
    tpu.barrier barrier_id(%barrier3A)
    %scan3A = arith.constant 0 : i32
    %scan3A_5 = arith.constant 0 : i32
    %scan3A_6 = arith.constant 20 : i32
    %scan3A_7 = arith.addi %scan3A_5, %scan3A_6 : i32
    %scan3A_8 = arith.constant 1 : i32
    %scan3A_9 = scf.for %scan3A_67 = %scan3A_5 to %scan3A_7 step %scan3A_8 iter_args(%scan3A_68 = %scan3A) -> (i32)  : i32 {
      %mul3A_69 = arith.constant 4 : i32
      %mul3A_70 = arith.muli %mul3A_69, %scan3A_67 : i32
      %add3A_71 = arith.constant 0 : i32
      %add3A_72 = arith.addi %mul3A_70, %add3A_71 : i32
      %ge3A = arith.constant 4 : i32
      %ge3A_73 = arith.cmpi sge, %add3A_72, %ge3A : i32
      %convert_element_type3A = arith.extui %ge3A_73 : i1 to i32
      %cond3A = arith.constant 0 : i32
      %cond3A_74 = arith.cmpi ne, %convert_element_type3A, %cond3A : i32
      scf.if %cond3A_74 {
        %dma_wait3A_150 = arith.constant 0 : i32
        %dma_wait3A_151 = arith.constant 0 : i32
        %dma_wait3A_152 = tpu.memref_slice %arg8[%dma_wait3A_150, %dma_wait3A_151] : memref<80x128xi32, #tpu.memory_space<vmem>> -> memref<1x128xi32, #tpu.memory_space<vmem>>
        %dma_wait3A_153 = tpu.memref_squeeze %dma_wait3A_152 : memref<1x128xi32, #tpu.memory_space<vmem>> -> memref<128xi32, #tpu.memory_space<vmem>>
        %dma_wait3A_154 = arith.constant 0 : i32
        %dma_wait3A_155 = arith.constant 0 : i32
        %dma_wait3A_156 = tpu.memref_slice %arg11[%dma_wait3A_154, %dma_wait3A_155] : memref<10240x16xf32, #tpu.memory_space<vmem_shared>> -> memref<10240x16xf32, #tpu.memory_space<vmem_shared>>
        tpu.wait_indirect_dma semaphore(%arg13 : memref<!tpu.dma_semaphore, #tpu.memory_space<semaphore_mem>>) src(%arg10 : memref<128x16xf32, #tpu.memory_space<vmem>>) dst(%dma_wait3A_156 : memref<10240x16xf32, #tpu.memory_space<vmem_shared>>)
        %dma_wait3A_157 = arith.constant 0 : i32
        %dma_wait3A_158 = arith.constant 0 : i32
        %dma_wait3A_159 = tpu.memref_slice %arg9[%dma_wait3A_157, %dma_wait3A_158] : memref<80x128xi32, #tpu.memory_space<vmem>> -> memref<1x128xi32, #tpu.memory_space<vmem>>
        %dma_wait3A_160 = tpu.memref_squeeze %dma_wait3A_159 : memref<1x128xi32, #tpu.memory_space<vmem>> -> memref<128xi32, #tpu.memory_space<vmem>>
        %dma_wait3A_161 = arith.constant 0 : i32
        %dma_wait3A_162 = arith.constant 0 : i32
        %dma_wait3A_163 = tpu.memref_slice %arg12[%dma_wait3A_161, %dma_wait3A_162] : memref<10240x16xf32, #tpu.memory_space<vmem_shared>> -> memref<10240x16xf32, #tpu.memory_space<vmem_shared>>
        tpu.wait_indirect_dma semaphore(%arg17 : memref<!tpu.dma_semaphore, #tpu.memory_space<semaphore_mem>>) src(%arg10 : memref<128x16xf32, #tpu.memory_space<vmem>>) dst(%dma_wait3A_163 : memref<10240x16xf32, #tpu.memory_space<vmem_shared>>)
      } else {
      }
      %dma_start3A = arith.constant 0 : i32
      %dma_start3A_75 = tpu.memref_slice %arg8[%add3A_72, %dma_start3A] : memref<80x128xi32, #tpu.memory_space<vmem>> -> memref<1x128xi32, #tpu.memory_space<vmem>>
      %dma_start3A_76 = tpu.memref_squeeze %dma_start3A_75 : memref<1x128xi32, #tpu.memory_space<vmem>> -> memref<128xi32, #tpu.memory_space<vmem>>
      %dma_start3A_77 = arith.constant 0 : i32
      %dma_start3A_78 = arith.constant 0 : i32
      %dma_start3A_79 = tpu.memref_slice %arg11[%dma_start3A_77, %dma_start3A_78] : memref<10240x16xf32, #tpu.memory_space<vmem_shared>> -> memref<10240x16xf32, #tpu.memory_space<vmem_shared>>
      tpu.enqueue_indirect_dma source(%arg10 : memref<128x16xf32, #tpu.memory_space<vmem>>) target(%dma_start3A_79 : memref<10240x16xf32, #tpu.memory_space<vmem_shared>>) offsets(%dma_start3A_76 : memref<128xi32, #tpu.memory_space<vmem>>) semaphore(%arg13 : memref<!tpu.dma_semaphore, #tpu.memory_space<semaphore_mem>>) {add = true}
      %dma_start3A_80 = arith.constant 0 : i32
      %dma_start3A_81 = tpu.memref_slice %arg9[%add3A_72, %dma_start3A_80] : memref<80x128xi32, #tpu.memory_space<vmem>> -> memref<1x128xi32, #tpu.memory_space<vmem>>
      %dma_start3A_82 = tpu.memref_squeeze %dma_start3A_81 : memref<1x128xi32, #tpu.memory_space<vmem>> -> memref<128xi32, #tpu.memory_space<vmem>>
      %dma_start3A_83 = arith.constant 0 : i32
      %dma_start3A_84 = arith.constant 0 : i32
      %dma_start3A_85 = tpu.memref_slice %arg12[%dma_start3A_83, %dma_start3A_84] : memref<10240x16xf32, #tpu.memory_space<vmem_shared>> -> memref<10240x16xf32, #tpu.memory_space<vmem_shared>>
      tpu.enqueue_indirect_dma source(%arg10 : memref<128x16xf32, #tpu.memory_space<vmem>>) target(%dma_start3A_85 : memref<10240x16xf32, #tpu.memory_space<vmem_shared>>) offsets(%dma_start3A_82 : memref<128xi32, #tpu.memory_space<vmem>>) semaphore(%arg17 : memref<!tpu.dma_semaphore, #tpu.memory_space<semaphore_mem>>) {add = true}
      %mul3A_86 = arith.constant 4 : i32
      %mul3A_87 = arith.muli %mul3A_86, %scan3A_67 : i32
      %add3A_88 = arith.constant 1 : i32
      %add3A_89 = arith.addi %mul3A_87, %add3A_88 : i32
      %ge3A_90 = arith.constant 4 : i32
      %ge3A_91 = arith.cmpi sge, %add3A_89, %ge3A_90 : i32
      %convert_element_type3A_92 = arith.extui %ge3A_91 : i1 to i32
      %cond3A_93 = arith.constant 0 : i32
      %cond3A_94 = arith.cmpi ne, %convert_element_type3A_92, %cond3A_93 : i32
      scf.if %cond3A_94 {
        %dma_wait3A_150 = arith.constant 0 : i32
        %dma_wait3A_151 = arith.constant 0 : i32
        %dma_wait3A_152 = tpu.memref_slice %arg8[%dma_wait3A_150, %dma_wait3A_151] : memref<80x128xi32, #tpu.memory_space<vmem>> -> memref<1x128xi32, #tpu.memory_space<vmem>>
        %dma_wait3A_153 = tpu.memref_squeeze %dma_wait3A_152 : memref<1x128xi32, #tpu.memory_space<vmem>> -> memref<128xi32, #tpu.memory_space<vmem>>
        %dma_wait3A_154 = arith.constant 0 : i32
        %dma_wait3A_155 = arith.constant 0 : i32
        %dma_wait3A_156 = tpu.memref_slice %arg11[%dma_wait3A_154, %dma_wait3A_155] : memref<10240x16xf32, #tpu.memory_space<vmem_shared>> -> memref<10240x16xf32, #tpu.memory_space<vmem_shared>>
        tpu.wait_indirect_dma semaphore(%arg14 : memref<!tpu.dma_semaphore, #tpu.memory_space<semaphore_mem>>) src(%arg10 : memref<128x16xf32, #tpu.memory_space<vmem>>) dst(%dma_wait3A_156 : memref<10240x16xf32, #tpu.memory_space<vmem_shared>>)
        %dma_wait3A_157 = arith.constant 0 : i32
        %dma_wait3A_158 = arith.constant 0 : i32
        %dma_wait3A_159 = tpu.memref_slice %arg9[%dma_wait3A_157, %dma_wait3A_158] : memref<80x128xi32, #tpu.memory_space<vmem>> -> memref<1x128xi32, #tpu.memory_space<vmem>>
        %dma_wait3A_160 = tpu.memref_squeeze %dma_wait3A_159 : memref<1x128xi32, #tpu.memory_space<vmem>> -> memref<128xi32, #tpu.memory_space<vmem>>
        %dma_wait3A_161 = arith.constant 0 : i32
        %dma_wait3A_162 = arith.constant 0 : i32
        %dma_wait3A_163 = tpu.memref_slice %arg12[%dma_wait3A_161, %dma_wait3A_162] : memref<10240x16xf32, #tpu.memory_space<vmem_shared>> -> memref<10240x16xf32, #tpu.memory_space<vmem_shared>>
        tpu.wait_indirect_dma semaphore(%arg18 : memref<!tpu.dma_semaphore, #tpu.memory_space<semaphore_mem>>) src(%arg10 : memref<128x16xf32, #tpu.memory_space<vmem>>) dst(%dma_wait3A_163 : memref<10240x16xf32, #tpu.memory_space<vmem_shared>>)
      } else {
      }
      %dma_start3A_95 = arith.constant 0 : i32
      %dma_start3A_96 = tpu.memref_slice %arg8[%add3A_89, %dma_start3A_95] : memref<80x128xi32, #tpu.memory_space<vmem>> -> memref<1x128xi32, #tpu.memory_space<vmem>>
      %dma_start3A_97 = tpu.memref_squeeze %dma_start3A_96 : memref<1x128xi32, #tpu.memory_space<vmem>> -> memref<128xi32, #tpu.memory_space<vmem>>
      %dma_start3A_98 = arith.constant 0 : i32
      %dma_start3A_99 = arith.constant 0 : i32
      %dma_start3A_100 = tpu.memref_slice %arg11[%dma_start3A_98, %dma_start3A_99] : memref<10240x16xf32, #tpu.memory_space<vmem_shared>> -> memref<10240x16xf32, #tpu.memory_space<vmem_shared>>
      tpu.enqueue_indirect_dma source(%arg10 : memref<128x16xf32, #tpu.memory_space<vmem>>) target(%dma_start3A_100 : memref<10240x16xf32, #tpu.memory_space<vmem_shared>>) offsets(%dma_start3A_97 : memref<128xi32, #tpu.memory_space<vmem>>) semaphore(%arg14 : memref<!tpu.dma_semaphore, #tpu.memory_space<semaphore_mem>>) {add = true}
      %dma_start3A_101 = arith.constant 0 : i32
      %dma_start3A_102 = tpu.memref_slice %arg9[%add3A_89, %dma_start3A_101] : memref<80x128xi32, #tpu.memory_space<vmem>> -> memref<1x128xi32, #tpu.memory_space<vmem>>
      %dma_start3A_103 = tpu.memref_squeeze %dma_start3A_102 : memref<1x128xi32, #tpu.memory_space<vmem>> -> memref<128xi32, #tpu.memory_space<vmem>>
      %dma_start3A_104 = arith.constant 0 : i32
      %dma_start3A_105 = arith.constant 0 : i32
      %dma_start3A_106 = tpu.memref_slice %arg12[%dma_start3A_104, %dma_start3A_105] : memref<10240x16xf32, #tpu.memory_space<vmem_shared>> -> memref<10240x16xf32, #tpu.memory_space<vmem_shared>>
      tpu.enqueue_indirect_dma source(%arg10 : memref<128x16xf32, #tpu.memory_space<vmem>>) target(%dma_start3A_106 : memref<10240x16xf32, #tpu.memory_space<vmem_shared>>) offsets(%dma_start3A_103 : memref<128xi32, #tpu.memory_space<vmem>>) semaphore(%arg18 : memref<!tpu.dma_semaphore, #tpu.memory_space<semaphore_mem>>) {add = true}
      %mul3A_107 = arith.constant 4 : i32
      %mul3A_108 = arith.muli %mul3A_107, %scan3A_67 : i32
      %add3A_109 = arith.constant 2 : i32
      %add3A_110 = arith.addi %mul3A_108, %add3A_109 : i32
      %ge3A_111 = arith.constant 4 : i32
      %ge3A_112 = arith.cmpi sge, %add3A_110, %ge3A_111 : i32
      %convert_element_type3A_113 = arith.extui %ge3A_112 : i1 to i32
      %cond3A_114 = arith.constant 0 : i32
      %cond3A_115 = arith.cmpi ne, %convert_element_type3A_113, %cond3A_114 : i32
      scf.if %cond3A_115 {
        %dma_wait3A_150 = arith.constant 0 : i32
        %dma_wait3A_151 = arith.constant 0 : i32
        %dma_wait3A_152 = tpu.memref_slice %arg8[%dma_wait3A_150, %dma_wait3A_151] : memref<80x128xi32, #tpu.memory_space<vmem>> -> memref<1x128xi32, #tpu.memory_space<vmem>>
        %dma_wait3A_153 = tpu.memref_squeeze %dma_wait3A_152 : memref<1x128xi32, #tpu.memory_space<vmem>> -> memref<128xi32, #tpu.memory_space<vmem>>
        %dma_wait3A_154 = arith.constant 0 : i32
        %dma_wait3A_155 = arith.constant 0 : i32
        %dma_wait3A_156 = tpu.memref_slice %arg11[%dma_wait3A_154, %dma_wait3A_155] : memref<10240x16xf32, #tpu.memory_space<vmem_shared>> -> memref<10240x16xf32, #tpu.memory_space<vmem_shared>>
        tpu.wait_indirect_dma semaphore(%arg15 : memref<!tpu.dma_semaphore, #tpu.memory_space<semaphore_mem>>) src(%arg10 : memref<128x16xf32, #tpu.memory_space<vmem>>) dst(%dma_wait3A_156 : memref<10240x16xf32, #tpu.memory_space<vmem_shared>>)
        %dma_wait3A_157 = arith.constant 0 : i32
        %dma_wait3A_158 = arith.constant 0 : i32
        %dma_wait3A_159 = tpu.memref_slice %arg9[%dma_wait3A_157, %dma_wait3A_158] : memref<80x128xi32, #tpu.memory_space<vmem>> -> memref<1x128xi32, #tpu.memory_space<vmem>>
        %dma_wait3A_160 = tpu.memref_squeeze %dma_wait3A_159 : memref<1x128xi32, #tpu.memory_space<vmem>> -> memref<128xi32, #tpu.memory_space<vmem>>
        %dma_wait3A_161 = arith.constant 0 : i32
        %dma_wait3A_162 = arith.constant 0 : i32
        %dma_wait3A_163 = tpu.memref_slice %arg12[%dma_wait3A_161, %dma_wait3A_162] : memref<10240x16xf32, #tpu.memory_space<vmem_shared>> -> memref<10240x16xf32, #tpu.memory_space<vmem_shared>>
        tpu.wait_indirect_dma semaphore(%arg19 : memref<!tpu.dma_semaphore, #tpu.memory_space<semaphore_mem>>) src(%arg10 : memref<128x16xf32, #tpu.memory_space<vmem>>) dst(%dma_wait3A_163 : memref<10240x16xf32, #tpu.memory_space<vmem_shared>>)
      } else {
      }
      %dma_start3A_116 = arith.constant 0 : i32
      %dma_start3A_117 = tpu.memref_slice %arg8[%add3A_110, %dma_start3A_116] : memref<80x128xi32, #tpu.memory_space<vmem>> -> memref<1x128xi32, #tpu.memory_space<vmem>>
      %dma_start3A_118 = tpu.memref_squeeze %dma_start3A_117 : memref<1x128xi32, #tpu.memory_space<vmem>> -> memref<128xi32, #tpu.memory_space<vmem>>
      %dma_start3A_119 = arith.constant 0 : i32
      %dma_start3A_120 = arith.constant 0 : i32
      %dma_start3A_121 = tpu.memref_slice %arg11[%dma_start3A_119, %dma_start3A_120] : memref<10240x16xf32, #tpu.memory_space<vmem_shared>> -> memref<10240x16xf32, #tpu.memory_space<vmem_shared>>
      tpu.enqueue_indirect_dma source(%arg10 : memref<128x16xf32, #tpu.memory_space<vmem>>) target(%dma_start3A_121 : memref<10240x16xf32, #tpu.memory_space<vmem_shared>>) offsets(%dma_start3A_118 : memref<128xi32, #tpu.memory_space<vmem>>) semaphore(%arg15 : memref<!tpu.dma_semaphore, #tpu.memory_space<semaphore_mem>>) {add = true}
      %dma_start3A_122 = arith.constant 0 : i32
      %dma_start3A_123 = tpu.memref_slice %arg9[%add3A_110, %dma_start3A_122] : memref<80x128xi32, #tpu.memory_space<vmem>> -> memref<1x128xi32, #tpu.memory_space<vmem>>
      %dma_start3A_124 = tpu.memref_squeeze %dma_start3A_123 : memref<1x128xi32, #tpu.memory_space<vmem>> -> memref<128xi32, #tpu.memory_space<vmem>>
      %dma_start3A_125 = arith.constant 0 : i32
      %dma_start3A_126 = arith.constant 0 : i32
      %dma_start3A_127 = tpu.memref_slice %arg12[%dma_start3A_125, %dma_start3A_126] : memref<10240x16xf32, #tpu.memory_space<vmem_shared>> -> memref<10240x16xf32, #tpu.memory_space<vmem_shared>>
      tpu.enqueue_indirect_dma source(%arg10 : memref<128x16xf32, #tpu.memory_space<vmem>>) target(%dma_start3A_127 : memref<10240x16xf32, #tpu.memory_space<vmem_shared>>) offsets(%dma_start3A_124 : memref<128xi32, #tpu.memory_space<vmem>>) semaphore(%arg19 : memref<!tpu.dma_semaphore, #tpu.memory_space<semaphore_mem>>) {add = true}
      %mul3A_128 = arith.constant 4 : i32
      %mul3A_129 = arith.muli %mul3A_128, %scan3A_67 : i32
      %add3A_130 = arith.constant 3 : i32
      %add3A_131 = arith.addi %mul3A_129, %add3A_130 : i32
      %ge3A_132 = arith.constant 4 : i32
      %ge3A_133 = arith.cmpi sge, %add3A_131, %ge3A_132 : i32
      %convert_element_type3A_134 = arith.extui %ge3A_133 : i1 to i32
      %cond3A_135 = arith.constant 0 : i32
      %cond3A_136 = arith.cmpi ne, %convert_element_type3A_134, %cond3A_135 : i32
      scf.if %cond3A_136 {
        %dma_wait3A_150 = arith.constant 0 : i32
        %dma_wait3A_151 = arith.constant 0 : i32
        %dma_wait3A_152 = tpu.memref_slice %arg8[%dma_wait3A_150, %dma_wait3A_151] : memref<80x128xi32, #tpu.memory_space<vmem>> -> memref<1x128xi32, #tpu.memory_space<vmem>>
        %dma_wait3A_153 = tpu.memref_squeeze %dma_wait3A_152 : memref<1x128xi32, #tpu.memory_space<vmem>> -> memref<128xi32, #tpu.memory_space<vmem>>
        %dma_wait3A_154 = arith.constant 0 : i32
        %dma_wait3A_155 = arith.constant 0 : i32
        %dma_wait3A_156 = tpu.memref_slice %arg11[%dma_wait3A_154, %dma_wait3A_155] : memref<10240x16xf32, #tpu.memory_space<vmem_shared>> -> memref<10240x16xf32, #tpu.memory_space<vmem_shared>>
        tpu.wait_indirect_dma semaphore(%arg16 : memref<!tpu.dma_semaphore, #tpu.memory_space<semaphore_mem>>) src(%arg10 : memref<128x16xf32, #tpu.memory_space<vmem>>) dst(%dma_wait3A_156 : memref<10240x16xf32, #tpu.memory_space<vmem_shared>>)
        %dma_wait3A_157 = arith.constant 0 : i32
        %dma_wait3A_158 = arith.constant 0 : i32
        %dma_wait3A_159 = tpu.memref_slice %arg9[%dma_wait3A_157, %dma_wait3A_158] : memref<80x128xi32, #tpu.memory_space<vmem>> -> memref<1x128xi32, #tpu.memory_space<vmem>>
        %dma_wait3A_160 = tpu.memref_squeeze %dma_wait3A_159 : memref<1x128xi32, #tpu.memory_space<vmem>> -> memref<128xi32, #tpu.memory_space<vmem>>
        %dma_wait3A_161 = arith.constant 0 : i32
        %dma_wait3A_162 = arith.constant 0 : i32
        %dma_wait3A_163 = tpu.memref_slice %arg12[%dma_wait3A_161, %dma_wait3A_162] : memref<10240x16xf32, #tpu.memory_space<vmem_shared>> -> memref<10240x16xf32, #tpu.memory_space<vmem_shared>>
        tpu.wait_indirect_dma semaphore(%arg20 : memref<!tpu.dma_semaphore, #tpu.memory_space<semaphore_mem>>) src(%arg10 : memref<128x16xf32, #tpu.memory_space<vmem>>) dst(%dma_wait3A_163 : memref<10240x16xf32, #tpu.memory_space<vmem_shared>>)
      } else {
      }
      %dma_start3A_137 = arith.constant 0 : i32
      %dma_start3A_138 = tpu.memref_slice %arg8[%add3A_131, %dma_start3A_137] : memref<80x128xi32, #tpu.memory_space<vmem>> -> memref<1x128xi32, #tpu.memory_space<vmem>>
      %dma_start3A_139 = tpu.memref_squeeze %dma_start3A_138 : memref<1x128xi32, #tpu.memory_space<vmem>> -> memref<128xi32, #tpu.memory_space<vmem>>
      %dma_start3A_140 = arith.constant 0 : i32
      %dma_start3A_141 = arith.constant 0 : i32
      %dma_start3A_142 = tpu.memref_slice %arg11[%dma_start3A_140, %dma_start3A_141] : memref<10240x16xf32, #tpu.memory_space<vmem_shared>> -> memref<10240x16xf32, #tpu.memory_space<vmem_shared>>
      tpu.enqueue_indirect_dma source(%arg10 : memref<128x16xf32, #tpu.memory_space<vmem>>) target(%dma_start3A_142 : memref<10240x16xf32, #tpu.memory_space<vmem_shared>>) offsets(%dma_start3A_139 : memref<128xi32, #tpu.memory_space<vmem>>) semaphore(%arg16 : memref<!tpu.dma_semaphore, #tpu.memory_space<semaphore_mem>>) {add = true}
      %dma_start3A_143 = arith.constant 0 : i32
      %dma_start3A_144 = tpu.memref_slice %arg9[%add3A_131, %dma_start3A_143] : memref<80x128xi32, #tpu.memory_space<vmem>> -> memref<1x128xi32, #tpu.memory_space<vmem>>
      %dma_start3A_145 = tpu.memref_squeeze %dma_start3A_144 : memref<1x128xi32, #tpu.memory_space<vmem>> -> memref<128xi32, #tpu.memory_space<vmem>>
      %dma_start3A_146 = arith.constant 0 : i32
      %dma_start3A_147 = arith.constant 0 : i32
      %dma_start3A_148 = tpu.memref_slice %arg12[%dma_start3A_146, %dma_start3A_147] : memref<10240x16xf32, #tpu.memory_space<vmem_shared>> -> memref<10240x16xf32, #tpu.memory_space<vmem_shared>>
      tpu.enqueue_indirect_dma source(%arg10 : memref<128x16xf32, #tpu.memory_space<vmem>>) target(%dma_start3A_148 : memref<10240x16xf32, #tpu.memory_space<vmem_shared>>) offsets(%dma_start3A_145 : memref<128xi32, #tpu.memory_space<vmem>>) semaphore(%arg20 : memref<!tpu.dma_semaphore, #tpu.memory_space<semaphore_mem>>) {add = true}
      %scan3A_149 = arith.constant 0 : i32
      scf.yield %scan3A_149 : i32
    }
    %scan3A_10 = arith.constant 20 : i32
    %dma_wait3A = arith.constant 0 : i32
    %dma_wait3A_11 = arith.constant 0 : i32
    %dma_wait3A_12 = tpu.memref_slice %arg8[%dma_wait3A, %dma_wait3A_11] : memref<80x128xi32, #tpu.memory_space<vmem>> -> memref<1x128xi32, #tpu.memory_space<vmem>>
    %dma_wait3A_13 = tpu.memref_squeeze %dma_wait3A_12 : memref<1x128xi32, #tpu.memory_space<vmem>> -> memref<128xi32, #tpu.memory_space<vmem>>
    %dma_wait3A_14 = arith.constant 0 : i32
    %dma_wait3A_15 = arith.constant 0 : i32
    %dma_wait3A_16 = tpu.memref_slice %arg11[%dma_wait3A_14, %dma_wait3A_15] : memref<10240x16xf32, #tpu.memory_space<vmem_shared>> -> memref<10240x16xf32, #tpu.memory_space<vmem_shared>>
    tpu.wait_indirect_dma semaphore(%arg13 : memref<!tpu.dma_semaphore, #tpu.memory_space<semaphore_mem>>) src(%arg10 : memref<128x16xf32, #tpu.memory_space<vmem>>) dst(%dma_wait3A_16 : memref<10240x16xf32, #tpu.memory_space<vmem_shared>>)
    %dma_wait3A_17 = arith.constant 0 : i32
    %dma_wait3A_18 = arith.constant 0 : i32
    %dma_wait3A_19 = tpu.memref_slice %arg9[%dma_wait3A_17, %dma_wait3A_18] : memref<80x128xi32, #tpu.memory_space<vmem>> -> memref<1x128xi32, #tpu.memory_space<vmem>>
    %dma_wait3A_20 = tpu.memref_squeeze %dma_wait3A_19 : memref<1x128xi32, #tpu.memory_space<vmem>> -> memref<128xi32, #tpu.memory_space<vmem>>
    %dma_wait3A_21 = arith.constant 0 : i32
    %dma_wait3A_22 = arith.constant 0 : i32
    %dma_wait3A_23 = tpu.memref_slice %arg12[%dma_wait3A_21, %dma_wait3A_22] : memref<10240x16xf32, #tpu.memory_space<vmem_shared>> -> memref<10240x16xf32, #tpu.memory_space<vmem_shared>>
    tpu.wait_indirect_dma semaphore(%arg17 : memref<!tpu.dma_semaphore, #tpu.memory_space<semaphore_mem>>) src(%arg10 : memref<128x16xf32, #tpu.memory_space<vmem>>) dst(%dma_wait3A_23 : memref<10240x16xf32, #tpu.memory_space<vmem_shared>>)
    %dma_wait3A_24 = arith.constant 0 : i32
    %dma_wait3A_25 = arith.constant 0 : i32
    %dma_wait3A_26 = tpu.memref_slice %arg8[%dma_wait3A_24, %dma_wait3A_25] : memref<80x128xi32, #tpu.memory_space<vmem>> -> memref<1x128xi32, #tpu.memory_space<vmem>>
    %dma_wait3A_27 = tpu.memref_squeeze %dma_wait3A_26 : memref<1x128xi32, #tpu.memory_space<vmem>> -> memref<128xi32, #tpu.memory_space<vmem>>
    %dma_wait3A_28 = arith.constant 0 : i32
    %dma_wait3A_29 = arith.constant 0 : i32
    %dma_wait3A_30 = tpu.memref_slice %arg11[%dma_wait3A_28, %dma_wait3A_29] : memref<10240x16xf32, #tpu.memory_space<vmem_shared>> -> memref<10240x16xf32, #tpu.memory_space<vmem_shared>>
    tpu.wait_indirect_dma semaphore(%arg14 : memref<!tpu.dma_semaphore, #tpu.memory_space<semaphore_mem>>) src(%arg10 : memref<128x16xf32, #tpu.memory_space<vmem>>) dst(%dma_wait3A_30 : memref<10240x16xf32, #tpu.memory_space<vmem_shared>>)
    %dma_wait3A_31 = arith.constant 0 : i32
    %dma_wait3A_32 = arith.constant 0 : i32
    %dma_wait3A_33 = tpu.memref_slice %arg9[%dma_wait3A_31, %dma_wait3A_32] : memref<80x128xi32, #tpu.memory_space<vmem>> -> memref<1x128xi32, #tpu.memory_space<vmem>>
    %dma_wait3A_34 = tpu.memref_squeeze %dma_wait3A_33 : memref<1x128xi32, #tpu.memory_space<vmem>> -> memref<128xi32, #tpu.memory_space<vmem>>
    %dma_wait3A_35 = arith.constant 0 : i32
    %dma_wait3A_36 = arith.constant 0 : i32
    %dma_wait3A_37 = tpu.memref_slice %arg12[%dma_wait3A_35, %dma_wait3A_36] : memref<10240x16xf32, #tpu.memory_space<vmem_shared>> -> memref<10240x16xf32, #tpu.memory_space<vmem_shared>>
    tpu.wait_indirect_dma semaphore(%arg18 : memref<!tpu.dma_semaphore, #tpu.memory_space<semaphore_mem>>) src(%arg10 : memref<128x16xf32, #tpu.memory_space<vmem>>) dst(%dma_wait3A_37 : memref<10240x16xf32, #tpu.memory_space<vmem_shared>>)
    %dma_wait3A_38 = arith.constant 0 : i32
    %dma_wait3A_39 = arith.constant 0 : i32
    %dma_wait3A_40 = tpu.memref_slice %arg8[%dma_wait3A_38, %dma_wait3A_39] : memref<80x128xi32, #tpu.memory_space<vmem>> -> memref<1x128xi32, #tpu.memory_space<vmem>>
    %dma_wait3A_41 = tpu.memref_squeeze %dma_wait3A_40 : memref<1x128xi32, #tpu.memory_space<vmem>> -> memref<128xi32, #tpu.memory_space<vmem>>
    %dma_wait3A_42 = arith.constant 0 : i32
    %dma_wait3A_43 = arith.constant 0 : i32
    %dma_wait3A_44 = tpu.memref_slice %arg11[%dma_wait3A_42, %dma_wait3A_43] : memref<10240x16xf32, #tpu.memory_space<vmem_shared>> -> memref<10240x16xf32, #tpu.memory_space<vmem_shared>>
    tpu.wait_indirect_dma semaphore(%arg15 : memref<!tpu.dma_semaphore, #tpu.memory_space<semaphore_mem>>) src(%arg10 : memref<128x16xf32, #tpu.memory_space<vmem>>) dst(%dma_wait3A_44 : memref<10240x16xf32, #tpu.memory_space<vmem_shared>>)
    %dma_wait3A_45 = arith.constant 0 : i32
    %dma_wait3A_46 = arith.constant 0 : i32
    %dma_wait3A_47 = tpu.memref_slice %arg9[%dma_wait3A_45, %dma_wait3A_46] : memref<80x128xi32, #tpu.memory_space<vmem>> -> memref<1x128xi32, #tpu.memory_space<vmem>>
    %dma_wait3A_48 = tpu.memref_squeeze %dma_wait3A_47 : memref<1x128xi32, #tpu.memory_space<vmem>> -> memref<128xi32, #tpu.memory_space<vmem>>
    %dma_wait3A_49 = arith.constant 0 : i32
    %dma_wait3A_50 = arith.constant 0 : i32
    %dma_wait3A_51 = tpu.memref_slice %arg12[%dma_wait3A_49, %dma_wait3A_50] : memref<10240x16xf32, #tpu.memory_space<vmem_shared>> -> memref<10240x16xf32, #tpu.memory_space<vmem_shared>>
    tpu.wait_indirect_dma semaphore(%arg19 : memref<!tpu.dma_semaphore, #tpu.memory_space<semaphore_mem>>) src(%arg10 : memref<128x16xf32, #tpu.memory_space<vmem>>) dst(%dma_wait3A_51 : memref<10240x16xf32, #tpu.memory_space<vmem_shared>>)
    %dma_wait3A_52 = arith.constant 0 : i32
    %dma_wait3A_53 = arith.constant 0 : i32
    %dma_wait3A_54 = tpu.memref_slice %arg8[%dma_wait3A_52, %dma_wait3A_53] : memref<80x128xi32, #tpu.memory_space<vmem>> -> memref<1x128xi32, #tpu.memory_space<vmem>>
    %dma_wait3A_55 = tpu.memref_squeeze %dma_wait3A_54 : memref<1x128xi32, #tpu.memory_space<vmem>> -> memref<128xi32, #tpu.memory_space<vmem>>
    %dma_wait3A_56 = arith.constant 0 : i32
    %dma_wait3A_57 = arith.constant 0 : i32
    %dma_wait3A_58 = tpu.memref_slice %arg11[%dma_wait3A_56, %dma_wait3A_57] : memref<10240x16xf32, #tpu.memory_space<vmem_shared>> -> memref<10240x16xf32, #tpu.memory_space<vmem_shared>>
    tpu.wait_indirect_dma semaphore(%arg16 : memref<!tpu.dma_semaphore, #tpu.memory_space<semaphore_mem>>) src(%arg10 : memref<128x16xf32, #tpu.memory_space<vmem>>) dst(%dma_wait3A_58 : memref<10240x16xf32, #tpu.memory_space<vmem_shared>>)
    %dma_wait3A_59 = arith.constant 0 : i32
    %dma_wait3A_60 = arith.constant 0 : i32
    %dma_wait3A_61 = tpu.memref_slice %arg9[%dma_wait3A_59, %dma_wait3A_60] : memref<80x128xi32, #tpu.memory_space<vmem>> -> memref<1x128xi32, #tpu.memory_space<vmem>>
    %dma_wait3A_62 = tpu.memref_squeeze %dma_wait3A_61 : memref<1x128xi32, #tpu.memory_space<vmem>> -> memref<128xi32, #tpu.memory_space<vmem>>
    %dma_wait3A_63 = arith.constant 0 : i32
    %dma_wait3A_64 = arith.constant 0 : i32
    %dma_wait3A_65 = tpu.memref_slice %arg12[%dma_wait3A_63, %dma_wait3A_64] : memref<10240x16xf32, #tpu.memory_space<vmem_shared>> -> memref<10240x16xf32, #tpu.memory_space<vmem_shared>>
    tpu.wait_indirect_dma semaphore(%arg20 : memref<!tpu.dma_semaphore, #tpu.memory_space<semaphore_mem>>) src(%arg10 : memref<128x16xf32, #tpu.memory_space<vmem>>) dst(%dma_wait3A_65 : memref<10240x16xf32, #tpu.memory_space<vmem_shared>>)
    %barrier3A_66 = arith.constant 0 : index
    tpu.barrier barrier_id(%barrier3A_66)
    "tpu.region"() ({
      %run_scoped3A = tpu.sem_alloc : memref<!tpu.dma_semaphore, #tpu.memory_space<semaphore_mem>>
      %dma_start3A = arith.constant 0 : i32
      %dma_start3A_67 = tpu.memref_slice %arg6[%arg0, %mul3A_2, %dma_start3A] : memref<2x10240x16xf32, #tpu.memory_space<hbm>> -> memref<1x640x16xf32, #tpu.memory_space<hbm>>
      %dma_start3A_68 = tpu.memref_squeeze %dma_start3A_67 : memref<1x640x16xf32, #tpu.memory_space<hbm>> -> memref<640x16xf32, #tpu.memory_space<hbm>>
      %dma_start3A_69 = arith.constant 0 : i32
      %dma_start3A_70 = tpu.memref_slice %arg11[%mul3A_2, %dma_start3A_69] : memref<10240x16xf32, #tpu.memory_space<vmem_shared>> -> memref<640x16xf32, #tpu.memory_space<vmem_shared>>
      tpu.enqueue_dma source(%dma_start3A_70 : memref<640x16xf32, #tpu.memory_space<vmem_shared>>) target(%dma_start3A_68 : memref<640x16xf32, #tpu.memory_space<hbm>>) target_semaphore(%run_scoped3A : memref<!tpu.dma_semaphore, #tpu.memory_space<semaphore_mem>>)
      %dma_wait3A_71 = arith.constant 0 : i32
      %dma_wait3A_72 = tpu.memref_slice %arg6[%arg0, %mul3A_2, %dma_wait3A_71] : memref<2x10240x16xf32, #tpu.memory_space<hbm>> -> memref<1x640x16xf32, #tpu.memory_space<hbm>>
      %dma_wait3A_73 = tpu.memref_squeeze %dma_wait3A_72 : memref<1x640x16xf32, #tpu.memory_space<hbm>> -> memref<640x16xf32, #tpu.memory_space<hbm>>
      %dma_wait3A_74 = arith.constant 0 : i32
      %dma_wait3A_75 = tpu.memref_slice %arg11[%mul3A_2, %dma_wait3A_74] : memref<10240x16xf32, #tpu.memory_space<vmem_shared>> -> memref<640x16xf32, #tpu.memory_space<vmem_shared>>
      tpu.wait_dma2 semaphore(%run_scoped3A : memref<!tpu.dma_semaphore, #tpu.memory_space<semaphore_mem>>) src(%dma_wait3A_75 : memref<640x16xf32, #tpu.memory_space<vmem_shared>>) dst(%dma_wait3A_73 : memref<640x16xf32, #tpu.memory_space<hbm>>)
      tpu.yield
    }) : () -> ()
    "tpu.region"() ({
      %run_scoped3A = tpu.sem_alloc : memref<!tpu.dma_semaphore, #tpu.memory_space<semaphore_mem>>
      %dma_start3A = arith.constant 0 : i32
      %dma_start3A_67 = tpu.memref_slice %arg7[%arg0, %mul3A_2, %dma_start3A] : memref<2x10240x16xf32, #tpu.memory_space<hbm>> -> memref<1x640x16xf32, #tpu.memory_space<hbm>>
      %dma_start3A_68 = tpu.memref_squeeze %dma_start3A_67 : memref<1x640x16xf32, #tpu.memory_space<hbm>> -> memref<640x16xf32, #tpu.memory_space<hbm>>
      %dma_start3A_69 = arith.constant 0 : i32
      %dma_start3A_70 = tpu.memref_slice %arg12[%mul3A_2, %dma_start3A_69] : memref<10240x16xf32, #tpu.memory_space<vmem_shared>> -> memref<640x16xf32, #tpu.memory_space<vmem_shared>>
      tpu.enqueue_dma source(%dma_start3A_70 : memref<640x16xf32, #tpu.memory_space<vmem_shared>>) target(%dma_start3A_68 : memref<640x16xf32, #tpu.memory_space<hbm>>) target_semaphore(%run_scoped3A : memref<!tpu.dma_semaphore, #tpu.memory_space<semaphore_mem>>)
      %dma_wait3A_71 = arith.constant 0 : i32
      %dma_wait3A_72 = tpu.memref_slice %arg7[%arg0, %mul3A_2, %dma_wait3A_71] : memref<2x10240x16xf32, #tpu.memory_space<hbm>> -> memref<1x640x16xf32, #tpu.memory_space<hbm>>
      %dma_wait3A_73 = tpu.memref_squeeze %dma_wait3A_72 : memref<1x640x16xf32, #tpu.memory_space<hbm>> -> memref<640x16xf32, #tpu.memory_space<hbm>>
      %dma_wait3A_74 = arith.constant 0 : i32
      %dma_wait3A_75 = tpu.memref_slice %arg12[%mul3A_2, %dma_wait3A_74] : memref<10240x16xf32, #tpu.memory_space<vmem_shared>> -> memref<640x16xf32, #tpu.memory_space<vmem_shared>>
      tpu.wait_dma2 semaphore(%run_scoped3A : memref<!tpu.dma_semaphore, #tpu.memory_space<semaphore_mem>>) src(%dma_wait3A_75 : memref<640x16xf32, #tpu.memory_space<vmem_shared>>) dst(%dma_wait3A_73 : memref<640x16xf32, #tpu.memory_space<hbm>>)
      tpu.yield
    }) : () -> ()
    return
  }
}

#map = affine_map<(d0, d1) -> (0, 0)>
#map1 = affine_map<(d0, d1) -> (0, 0, 0)>
module attributes {stable_mosaic.version = 14 : i64} {
  func.func @_scatter_kernel(%arg0: i32, %arg1: i32, %arg2: memref<10000x64xf32, #tpu.memory_space<hbm>>, %arg3: memref<2560x128xi32, #tpu.memory_space<hbm>>, %arg4: memref<2560x128xi32, #tpu.memory_space<hbm>>, %arg5: memref<640x64xf32, #tpu.memory_space<hbm>>, %arg6: memref<2x10240x64xf32, #tpu.memory_space<hbm>>, %arg7: memref<80x128xi32, #tpu.memory_space<vmem>>, %arg8: memref<80x128xi32, #tpu.memory_space<vmem>>, %arg9: memref<128x64xf32, #tpu.memory_space<vmem>>, %arg10: memref<128x64xf32, #tpu.memory_space<vmem>>, %arg11: memref<10240x64xf32, #tpu.memory_space<vmem_shared>>, %arg12: memref<!tpu.dma_semaphore, #tpu.memory_space<semaphore_mem>>, %arg13: memref<!tpu.dma_semaphore, #tpu.memory_space<semaphore_mem>>, %arg14: memref<!tpu.dma_semaphore, #tpu.memory_space<semaphore_mem>>, %arg15: memref<!tpu.dma_semaphore, #tpu.memory_space<semaphore_mem>>, %arg16: memref<!tpu.dma_semaphore, #tpu.memory_space<semaphore_mem>>, %arg17: memref<!tpu.dma_semaphore, #tpu.memory_space<semaphore_mem>>) attributes {dimension_semantics = [#tpu.dimension_semantics<core_parallel>, #tpu.dimension_semantics<subcore_parallel>], iteration_bounds = array<i64: 2, 16>, scalar_prefetch = 0 : i64, scratch_operands = 11 : i64, tpu.core_type = #tpu.core_type<sc_vector_subcore>, window_params = [{transform_indices = #map}, {transform_indices = #map}, {transform_indices = #map}, {transform_indices = #map}, {transform_indices = #map1}]} {
    %mul3A = arith.constant 16 : i32
    %mul3A_0 = arith.muli %arg0, %mul3A : i32
    %add3A = arith.addi %mul3A_0, %arg1 : i32
    %mul3A_1 = arith.constant 640 : i32
    %mul3A_2 = arith.muli %arg1, %mul3A_1 : i32
    %mul3A_3 = arith.constant 80 : i32
    %mul3A_4 = arith.muli %add3A, %mul3A_3 : i32
    %mul3A_5 = arith.constant 128 : i32
    %mul3A_6 = arith.muli %mul3A_4, %mul3A_5 : i32
    "tpu.region"() ({
      %run_scoped3A = tpu.sem_alloc : memref<!tpu.dma_semaphore, #tpu.memory_space<semaphore_mem>>
      %dma_start3A_33 = arith.constant 0 : i32
      %dma_start3A_34 = tpu.memref_slice %arg3[%mul3A_4, %dma_start3A_33] : memref<2560x128xi32, #tpu.memory_space<hbm>> -> memref<80x128xi32, #tpu.memory_space<hbm>>
      %dma_start3A_35 = arith.constant 0 : i32
      %dma_start3A_36 = tpu.memref_slice %arg3[%mul3A_4, %dma_start3A_35] : memref<2560x128xi32, #tpu.memory_space<hbm>> -> memref<80x128xi32, #tpu.memory_space<hbm>>
      tpu.enqueue_dma source(%dma_start3A_36 : memref<80x128xi32, #tpu.memory_space<hbm>>) target(%arg7 : memref<80x128xi32, #tpu.memory_space<vmem>>) target_semaphore(%run_scoped3A : memref<!tpu.dma_semaphore, #tpu.memory_space<semaphore_mem>>)
      %dma_wait3A_37 = arith.constant 0 : i32
      %dma_wait3A_38 = tpu.memref_slice %arg3[%mul3A_4, %dma_wait3A_37] : memref<2560x128xi32, #tpu.memory_space<hbm>> -> memref<80x128xi32, #tpu.memory_space<hbm>>
      %dma_wait3A_39 = arith.constant 0 : i32
      %dma_wait3A_40 = tpu.memref_slice %arg3[%mul3A_4, %dma_wait3A_39] : memref<2560x128xi32, #tpu.memory_space<hbm>> -> memref<80x128xi32, #tpu.memory_space<hbm>>
      tpu.wait_dma2 semaphore(%run_scoped3A : memref<!tpu.dma_semaphore, #tpu.memory_space<semaphore_mem>>) src(%dma_wait3A_40 : memref<80x128xi32, #tpu.memory_space<hbm>>) dst(%arg7 : memref<80x128xi32, #tpu.memory_space<vmem>>)
      tpu.yield
    }) : () -> ()
    %dma_start3A = arith.constant 0 : i32
    %dma_start3A_7 = arith.constant 0 : i32
    %dma_start3A_8 = tpu.memref_slice %arg7[%dma_start3A, %dma_start3A_7] : memref<80x128xi32, #tpu.memory_space<vmem>> -> memref<1x128xi32, #tpu.memory_space<vmem>>
    %dma_start3A_9 = tpu.memref_squeeze %dma_start3A_8 : memref<1x128xi32, #tpu.memory_space<vmem>> -> memref<128xi32, #tpu.memory_space<vmem>>
    %dma_start3A_10 = arith.constant 0 : i32
    %dma_start3A_11 = arith.constant 0 : i32
    %dma_start3A_12 = tpu.memref_slice %arg2[%dma_start3A_10, %dma_start3A_11] : memref<10000x64xf32, #tpu.memory_space<hbm>> -> memref<10000x64xf32, #tpu.memory_space<hbm>>
    tpu.enqueue_indirect_dma source(%dma_start3A_12 : memref<10000x64xf32, #tpu.memory_space<hbm>>) target(%arg9 : memref<128x64xf32, #tpu.memory_space<vmem>>) offsets(%dma_start3A_9 : memref<128xi32, #tpu.memory_space<vmem>>) semaphore(%arg14 : memref<!tpu.dma_semaphore, #tpu.memory_space<semaphore_mem>>)
    "tpu.region"() ({
      %run_scoped3A = tpu.sem_alloc : memref<!tpu.dma_semaphore, #tpu.memory_space<semaphore_mem>>
      %dma_start3A_33 = arith.constant 0 : i32
      %dma_start3A_34 = tpu.memref_slice %arg4[%mul3A_4, %dma_start3A_33] : memref<2560x128xi32, #tpu.memory_space<hbm>> -> memref<80x128xi32, #tpu.memory_space<hbm>>
      %dma_start3A_35 = arith.constant 0 : i32
      %dma_start3A_36 = tpu.memref_slice %arg4[%mul3A_4, %dma_start3A_35] : memref<2560x128xi32, #tpu.memory_space<hbm>> -> memref<80x128xi32, #tpu.memory_space<hbm>>
      tpu.enqueue_dma source(%dma_start3A_36 : memref<80x128xi32, #tpu.memory_space<hbm>>) target(%arg8 : memref<80x128xi32, #tpu.memory_space<vmem>>) target_semaphore(%run_scoped3A : memref<!tpu.dma_semaphore, #tpu.memory_space<semaphore_mem>>)
      %dma_wait3A_37 = arith.constant 0 : i32
      %dma_wait3A_38 = tpu.memref_slice %arg4[%mul3A_4, %dma_wait3A_37] : memref<2560x128xi32, #tpu.memory_space<hbm>> -> memref<80x128xi32, #tpu.memory_space<hbm>>
      %dma_wait3A_39 = arith.constant 0 : i32
      %dma_wait3A_40 = tpu.memref_slice %arg4[%mul3A_4, %dma_wait3A_39] : memref<2560x128xi32, #tpu.memory_space<hbm>> -> memref<80x128xi32, #tpu.memory_space<hbm>>
      tpu.wait_dma2 semaphore(%run_scoped3A : memref<!tpu.dma_semaphore, #tpu.memory_space<semaphore_mem>>) src(%dma_wait3A_40 : memref<80x128xi32, #tpu.memory_space<hbm>>) dst(%arg8 : memref<80x128xi32, #tpu.memory_space<vmem>>)
      tpu.yield
    }) : () -> ()
    "tpu.region"() ({
      %run_scoped3A = tpu.sem_alloc : memref<!tpu.dma_semaphore, #tpu.memory_space<semaphore_mem>>
      %dma_start3A_33 = arith.constant 0 : i32
      %dma_start3A_34 = tpu.memref_slice %arg11[%mul3A_2, %dma_start3A_33] : memref<10240x64xf32, #tpu.memory_space<vmem_shared>> -> memref<640x64xf32, #tpu.memory_space<vmem_shared>>
      tpu.enqueue_dma source(%arg5 : memref<640x64xf32, #tpu.memory_space<hbm>>) target(%dma_start3A_34 : memref<640x64xf32, #tpu.memory_space<vmem_shared>>) target_semaphore(%run_scoped3A : memref<!tpu.dma_semaphore, #tpu.memory_space<semaphore_mem>>)
      %dma_wait3A_35 = arith.constant 0 : i32
      %dma_wait3A_36 = tpu.memref_slice %arg11[%mul3A_2, %dma_wait3A_35] : memref<10240x64xf32, #tpu.memory_space<vmem_shared>> -> memref<640x64xf32, #tpu.memory_space<vmem_shared>>
      tpu.wait_dma2 semaphore(%run_scoped3A : memref<!tpu.dma_semaphore, #tpu.memory_space<semaphore_mem>>) src(%arg5 : memref<640x64xf32, #tpu.memory_space<hbm>>) dst(%dma_wait3A_36 : memref<640x64xf32, #tpu.memory_space<vmem_shared>>)
      tpu.yield
    }) : () -> ()
    %barrier3A = arith.constant 0 : index
    tpu.barrier barrier_id(%barrier3A)
    %scan3A = arith.constant 0 : i32
    %scan3A_13 = arith.constant 0 : i32
    %scan3A_14 = arith.constant 40 : i32
    %scan3A_15 = arith.addi %scan3A_13, %scan3A_14 : i32
    %scan3A_16 = arith.constant 1 : i32
    %scan3A_17 = scf.for %scan3A_33 = %scan3A_13 to %scan3A_15 step %scan3A_16 iter_args(%scan3A_34 = %scan3A) -> (i32)  : i32 {
      %mul3A_35 = arith.constant 2 : i32
      %mul3A_36 = arith.muli %mul3A_35, %scan3A_33 : i32
      %add3A_37 = arith.constant 0 : i32
      %add3A_38 = arith.addi %mul3A_36, %add3A_37 : i32
      %dma_wait3A_39 = arith.constant 0 : i32
      %dma_wait3A_40 = arith.constant 0 : i32
      %dma_wait3A_41 = tpu.memref_slice %arg7[%dma_wait3A_39, %dma_wait3A_40] : memref<80x128xi32, #tpu.memory_space<vmem>> -> memref<1x128xi32, #tpu.memory_space<vmem>>
      %dma_wait3A_42 = tpu.memref_squeeze %dma_wait3A_41 : memref<1x128xi32, #tpu.memory_space<vmem>> -> memref<128xi32, #tpu.memory_space<vmem>>
      %dma_wait3A_43 = arith.constant 0 : i32
      %dma_wait3A_44 = arith.constant 0 : i32
      %dma_wait3A_45 = tpu.memref_slice %arg2[%dma_wait3A_43, %dma_wait3A_44] : memref<10000x64xf32, #tpu.memory_space<hbm>> -> memref<10000x64xf32, #tpu.memory_space<hbm>>
      tpu.wait_indirect_dma semaphore(%arg14 : memref<!tpu.dma_semaphore, #tpu.memory_space<semaphore_mem>>) src(%dma_wait3A_45 : memref<10000x64xf32, #tpu.memory_space<hbm>>) dst(%arg9 : memref<128x64xf32, #tpu.memory_space<vmem>>)
      %dma_start3A_46 = arith.constant 0 : i32
      %dma_start3A_47 = tpu.memref_slice %arg8[%add3A_38, %dma_start3A_46] : memref<80x128xi32, #tpu.memory_space<vmem>> -> memref<1x128xi32, #tpu.memory_space<vmem>>
      %dma_start3A_48 = tpu.memref_squeeze %dma_start3A_47 : memref<1x128xi32, #tpu.memory_space<vmem>> -> memref<128xi32, #tpu.memory_space<vmem>>
      %dma_start3A_49 = arith.constant 0 : i32
      %dma_start3A_50 = arith.constant 0 : i32
      %dma_start3A_51 = tpu.memref_slice %arg11[%dma_start3A_49, %dma_start3A_50] : memref<10240x64xf32, #tpu.memory_space<vmem_shared>> -> memref<10240x64xf32, #tpu.memory_space<vmem_shared>>
      tpu.enqueue_indirect_dma source(%arg9 : memref<128x64xf32, #tpu.memory_space<vmem>>) target(%dma_start3A_51 : memref<10240x64xf32, #tpu.memory_space<vmem_shared>>) offsets(%dma_start3A_48 : memref<128xi32, #tpu.memory_space<vmem>>) semaphore(%arg16 : memref<!tpu.dma_semaphore, #tpu.memory_space<semaphore_mem>>) {add = true}
      %add3A_52 = arith.constant 1 : i32
      %add3A_53 = arith.addi %add3A_38, %add3A_52 : i32
      %lt3A = arith.constant 80 : i32
      %lt3A_54 = arith.cmpi slt, %add3A_53, %lt3A : i32
      %convert_element_type3A = arith.extui %lt3A_54 : i1 to i32
      %cond3A = arith.constant 0 : i32
      %cond3A_55 = arith.cmpi ne, %convert_element_type3A, %cond3A : i32
      scf.if %cond3A_55 {
        %ge3A = arith.constant 1 : i32
        %ge3A_81 = arith.cmpi sge, %add3A_38, %ge3A : i32
        %convert_element_type3A_82 = arith.extui %ge3A_81 : i1 to i32
        %cond3A_83 = arith.constant 0 : i32
        %cond3A_84 = arith.cmpi ne, %convert_element_type3A_82, %cond3A_83 : i32
        scf.if %cond3A_84 {
          %dma_wait3A_93 = arith.constant 0 : i32
          %dma_wait3A_94 = arith.constant 0 : i32
          %dma_wait3A_95 = tpu.memref_slice %arg8[%dma_wait3A_93, %dma_wait3A_94] : memref<80x128xi32, #tpu.memory_space<vmem>> -> memref<1x128xi32, #tpu.memory_space<vmem>>
          %dma_wait3A_96 = tpu.memref_squeeze %dma_wait3A_95 : memref<1x128xi32, #tpu.memory_space<vmem>> -> memref<128xi32, #tpu.memory_space<vmem>>
          %dma_wait3A_97 = arith.constant 0 : i32
          %dma_wait3A_98 = arith.constant 0 : i32
          %dma_wait3A_99 = tpu.memref_slice %arg11[%dma_wait3A_97, %dma_wait3A_98] : memref<10240x64xf32, #tpu.memory_space<vmem_shared>> -> memref<10240x64xf32, #tpu.memory_space<vmem_shared>>
          tpu.wait_indirect_dma semaphore(%arg17 : memref<!tpu.dma_semaphore, #tpu.memory_space<semaphore_mem>>) src(%arg10 : memref<128x64xf32, #tpu.memory_space<vmem>>) dst(%dma_wait3A_99 : memref<10240x64xf32, #tpu.memory_space<vmem_shared>>)
        } else {
        }
        %add3A_85 = arith.constant 1 : i32
        %add3A_86 = arith.addi %add3A_38, %add3A_85 : i32
        %dma_start3A_87 = arith.constant 0 : i32
        %dma_start3A_88 = tpu.memref_slice %arg7[%add3A_86, %dma_start3A_87] : memref<80x128xi32, #tpu.memory_space<vmem>> -> memref<1x128xi32, #tpu.memory_space<vmem>>
        %dma_start3A_89 = tpu.memref_squeeze %dma_start3A_88 : memref<1x128xi32, #tpu.memory_space<vmem>> -> memref<128xi32, #tpu.memory_space<vmem>>
        %dma_start3A_90 = arith.constant 0 : i32
        %dma_start3A_91 = arith.constant 0 : i32
        %dma_start3A_92 = tpu.memref_slice %arg2[%dma_start3A_90, %dma_start3A_91] : memref<10000x64xf32, #tpu.memory_space<hbm>> -> memref<10000x64xf32, #tpu.memory_space<hbm>>
        tpu.enqueue_indirect_dma source(%dma_start3A_92 : memref<10000x64xf32, #tpu.memory_space<hbm>>) target(%arg10 : memref<128x64xf32, #tpu.memory_space<vmem>>) offsets(%dma_start3A_89 : memref<128xi32, #tpu.memory_space<vmem>>) semaphore(%arg15 : memref<!tpu.dma_semaphore, #tpu.memory_space<semaphore_mem>>)
      } else {
      }
      %mul3A_56 = arith.constant 2 : i32
      %mul3A_57 = arith.muli %mul3A_56, %scan3A_33 : i32
      %add3A_58 = arith.constant 1 : i32
      %add3A_59 = arith.addi %mul3A_57, %add3A_58 : i32
      %dma_wait3A_60 = arith.constant 0 : i32
      %dma_wait3A_61 = arith.constant 0 : i32
      %dma_wait3A_62 = tpu.memref_slice %arg7[%dma_wait3A_60, %dma_wait3A_61] : memref<80x128xi32, #tpu.memory_space<vmem>> -> memref<1x128xi32, #tpu.memory_space<vmem>>
      %dma_wait3A_63 = tpu.memref_squeeze %dma_wait3A_62 : memref<1x128xi32, #tpu.memory_space<vmem>> -> memref<128xi32, #tpu.memory_space<vmem>>
      %dma_wait3A_64 = arith.constant 0 : i32
      %dma_wait3A_65 = arith.constant 0 : i32
      %dma_wait3A_66 = tpu.memref_slice %arg2[%dma_wait3A_64, %dma_wait3A_65] : memref<10000x64xf32, #tpu.memory_space<hbm>> -> memref<10000x64xf32, #tpu.memory_space<hbm>>
      tpu.wait_indirect_dma semaphore(%arg15 : memref<!tpu.dma_semaphore, #tpu.memory_space<semaphore_mem>>) src(%dma_wait3A_66 : memref<10000x64xf32, #tpu.memory_space<hbm>>) dst(%arg10 : memref<128x64xf32, #tpu.memory_space<vmem>>)
      %dma_start3A_67 = arith.constant 0 : i32
      %dma_start3A_68 = tpu.memref_slice %arg8[%add3A_59, %dma_start3A_67] : memref<80x128xi32, #tpu.memory_space<vmem>> -> memref<1x128xi32, #tpu.memory_space<vmem>>
      %dma_start3A_69 = tpu.memref_squeeze %dma_start3A_68 : memref<1x128xi32, #tpu.memory_space<vmem>> -> memref<128xi32, #tpu.memory_space<vmem>>
      %dma_start3A_70 = arith.constant 0 : i32
      %dma_start3A_71 = arith.constant 0 : i32
      %dma_start3A_72 = tpu.memref_slice %arg11[%dma_start3A_70, %dma_start3A_71] : memref<10240x64xf32, #tpu.memory_space<vmem_shared>> -> memref<10240x64xf32, #tpu.memory_space<vmem_shared>>
      tpu.enqueue_indirect_dma source(%arg10 : memref<128x64xf32, #tpu.memory_space<vmem>>) target(%dma_start3A_72 : memref<10240x64xf32, #tpu.memory_space<vmem_shared>>) offsets(%dma_start3A_69 : memref<128xi32, #tpu.memory_space<vmem>>) semaphore(%arg17 : memref<!tpu.dma_semaphore, #tpu.memory_space<semaphore_mem>>) {add = true}
      %add3A_73 = arith.constant 1 : i32
      %add3A_74 = arith.addi %add3A_59, %add3A_73 : i32
      %lt3A_75 = arith.constant 80 : i32
      %lt3A_76 = arith.cmpi slt, %add3A_74, %lt3A_75 : i32
      %convert_element_type3A_77 = arith.extui %lt3A_76 : i1 to i32
      %cond3A_78 = arith.constant 0 : i32
      %cond3A_79 = arith.cmpi ne, %convert_element_type3A_77, %cond3A_78 : i32
      scf.if %cond3A_79 {
        %ge3A = arith.constant 1 : i32
        %ge3A_81 = arith.cmpi sge, %add3A_59, %ge3A : i32
        %convert_element_type3A_82 = arith.extui %ge3A_81 : i1 to i32
        %cond3A_83 = arith.constant 0 : i32
        %cond3A_84 = arith.cmpi ne, %convert_element_type3A_82, %cond3A_83 : i32
        scf.if %cond3A_84 {
          %dma_wait3A_93 = arith.constant 0 : i32
          %dma_wait3A_94 = arith.constant 0 : i32
          %dma_wait3A_95 = tpu.memref_slice %arg8[%dma_wait3A_93, %dma_wait3A_94] : memref<80x128xi32, #tpu.memory_space<vmem>> -> memref<1x128xi32, #tpu.memory_space<vmem>>
          %dma_wait3A_96 = tpu.memref_squeeze %dma_wait3A_95 : memref<1x128xi32, #tpu.memory_space<vmem>> -> memref<128xi32, #tpu.memory_space<vmem>>
          %dma_wait3A_97 = arith.constant 0 : i32
          %dma_wait3A_98 = arith.constant 0 : i32
          %dma_wait3A_99 = tpu.memref_slice %arg11[%dma_wait3A_97, %dma_wait3A_98] : memref<10240x64xf32, #tpu.memory_space<vmem_shared>> -> memref<10240x64xf32, #tpu.memory_space<vmem_shared>>
          tpu.wait_indirect_dma semaphore(%arg16 : memref<!tpu.dma_semaphore, #tpu.memory_space<semaphore_mem>>) src(%arg9 : memref<128x64xf32, #tpu.memory_space<vmem>>) dst(%dma_wait3A_99 : memref<10240x64xf32, #tpu.memory_space<vmem_shared>>)
        } else {
        }
        %add3A_85 = arith.constant 1 : i32
        %add3A_86 = arith.addi %add3A_59, %add3A_85 : i32
        %dma_start3A_87 = arith.constant 0 : i32
        %dma_start3A_88 = tpu.memref_slice %arg7[%add3A_86, %dma_start3A_87] : memref<80x128xi32, #tpu.memory_space<vmem>> -> memref<1x128xi32, #tpu.memory_space<vmem>>
        %dma_start3A_89 = tpu.memref_squeeze %dma_start3A_88 : memref<1x128xi32, #tpu.memory_space<vmem>> -> memref<128xi32, #tpu.memory_space<vmem>>
        %dma_start3A_90 = arith.constant 0 : i32
        %dma_start3A_91 = arith.constant 0 : i32
        %dma_start3A_92 = tpu.memref_slice %arg2[%dma_start3A_90, %dma_start3A_91] : memref<10000x64xf32, #tpu.memory_space<hbm>> -> memref<10000x64xf32, #tpu.memory_space<hbm>>
        tpu.enqueue_indirect_dma source(%dma_start3A_92 : memref<10000x64xf32, #tpu.memory_space<hbm>>) target(%arg9 : memref<128x64xf32, #tpu.memory_space<vmem>>) offsets(%dma_start3A_89 : memref<128xi32, #tpu.memory_space<vmem>>) semaphore(%arg14 : memref<!tpu.dma_semaphore, #tpu.memory_space<semaphore_mem>>)
      } else {
      }
      %scan3A_80 = arith.constant 0 : i32
      scf.yield %scan3A_80 : i32
    }
    %scan3A_18 = arith.constant 40 : i32
    %dma_wait3A = arith.constant 0 : i32
    %dma_wait3A_19 = arith.constant 0 : i32
    %dma_wait3A_20 = tpu.memref_slice %arg8[%dma_wait3A, %dma_wait3A_19] : memref<80x128xi32, #tpu.memory_space<vmem>> -> memref<1x128xi32, #tpu.memory_space<vmem>>
    %dma_wait3A_21 = tpu.memref_squeeze %dma_wait3A_20 : memref<1x128xi32, #tpu.memory_space<vmem>> -> memref<128xi32, #tpu.memory_space<vmem>>
    %dma_wait3A_22 = arith.constant 0 : i32
    %dma_wait3A_23 = arith.constant 0 : i32
    %dma_wait3A_24 = tpu.memref_slice %arg11[%dma_wait3A_22, %dma_wait3A_23] : memref<10240x64xf32, #tpu.memory_space<vmem_shared>> -> memref<10240x64xf32, #tpu.memory_space<vmem_shared>>
    tpu.wait_indirect_dma semaphore(%arg16 : memref<!tpu.dma_semaphore, #tpu.memory_space<semaphore_mem>>) src(%arg9 : memref<128x64xf32, #tpu.memory_space<vmem>>) dst(%dma_wait3A_24 : memref<10240x64xf32, #tpu.memory_space<vmem_shared>>)
    %dma_wait3A_25 = arith.constant 0 : i32
    %dma_wait3A_26 = arith.constant 0 : i32
    %dma_wait3A_27 = tpu.memref_slice %arg8[%dma_wait3A_25, %dma_wait3A_26] : memref<80x128xi32, #tpu.memory_space<vmem>> -> memref<1x128xi32, #tpu.memory_space<vmem>>
    %dma_wait3A_28 = tpu.memref_squeeze %dma_wait3A_27 : memref<1x128xi32, #tpu.memory_space<vmem>> -> memref<128xi32, #tpu.memory_space<vmem>>
    %dma_wait3A_29 = arith.constant 0 : i32
    %dma_wait3A_30 = arith.constant 0 : i32
    %dma_wait3A_31 = tpu.memref_slice %arg11[%dma_wait3A_29, %dma_wait3A_30] : memref<10240x64xf32, #tpu.memory_space<vmem_shared>> -> memref<10240x64xf32, #tpu.memory_space<vmem_shared>>
    tpu.wait_indirect_dma semaphore(%arg17 : memref<!tpu.dma_semaphore, #tpu.memory_space<semaphore_mem>>) src(%arg10 : memref<128x64xf32, #tpu.memory_space<vmem>>) dst(%dma_wait3A_31 : memref<10240x64xf32, #tpu.memory_space<vmem_shared>>)
    %barrier3A_32 = arith.constant 0 : index
    tpu.barrier barrier_id(%barrier3A_32)
    "tpu.region"() ({
      %run_scoped3A = tpu.sem_alloc : memref<!tpu.dma_semaphore, #tpu.memory_space<semaphore_mem>>
      %dma_start3A_33 = arith.constant 0 : i32
      %dma_start3A_34 = tpu.memref_slice %arg6[%arg0, %mul3A_2, %dma_start3A_33] : memref<2x10240x64xf32, #tpu.memory_space<hbm>> -> memref<1x640x64xf32, #tpu.memory_space<hbm>>
      %dma_start3A_35 = tpu.memref_squeeze %dma_start3A_34 : memref<1x640x64xf32, #tpu.memory_space<hbm>> -> memref<640x64xf32, #tpu.memory_space<hbm>>
      %dma_start3A_36 = arith.constant 0 : i32
      %dma_start3A_37 = tpu.memref_slice %arg11[%mul3A_2, %dma_start3A_36] : memref<10240x64xf32, #tpu.memory_space<vmem_shared>> -> memref<640x64xf32, #tpu.memory_space<vmem_shared>>
      tpu.enqueue_dma source(%dma_start3A_37 : memref<640x64xf32, #tpu.memory_space<vmem_shared>>) target(%dma_start3A_35 : memref<640x64xf32, #tpu.memory_space<hbm>>) target_semaphore(%run_scoped3A : memref<!tpu.dma_semaphore, #tpu.memory_space<semaphore_mem>>)
      %dma_wait3A_38 = arith.constant 0 : i32
      %dma_wait3A_39 = tpu.memref_slice %arg6[%arg0, %mul3A_2, %dma_wait3A_38] : memref<2x10240x64xf32, #tpu.memory_space<hbm>> -> memref<1x640x64xf32, #tpu.memory_space<hbm>>
      %dma_wait3A_40 = tpu.memref_squeeze %dma_wait3A_39 : memref<1x640x64xf32, #tpu.memory_space<hbm>> -> memref<640x64xf32, #tpu.memory_space<hbm>>
      %dma_wait3A_41 = arith.constant 0 : i32
      %dma_wait3A_42 = tpu.memref_slice %arg11[%mul3A_2, %dma_wait3A_41] : memref<10240x64xf32, #tpu.memory_space<vmem_shared>> -> memref<640x64xf32, #tpu.memory_space<vmem_shared>>
      tpu.wait_dma2 semaphore(%run_scoped3A : memref<!tpu.dma_semaphore, #tpu.memory_space<semaphore_mem>>) src(%dma_wait3A_42 : memref<640x64xf32, #tpu.memory_space<vmem_shared>>) dst(%dma_wait3A_40 : memref<640x64xf32, #tpu.memory_space<hbm>>)
      tpu.yield
    }) : () -> ()
    return
  }
}

module attributes {stable_mosaic.version = 14 : i64} {
  func.func @_tc1_body(%arg0: i32, %arg1: memref<400x128xf32, #tpu.memory_space<vmem>>, %arg2: memref<128x128xf32, #tpu.memory_space<vmem>>, %arg3: memref<2x400x16xf32, #tpu.memory_space<vmem>>, %arg4: memref<2x400x16xf32, #tpu.memory_space<vmem>>, %arg5: memref<400x128xf32, #tpu.memory_space<vmem>>, %arg6: memref<400x16xf32, #tpu.memory_space<vmem>>, %arg7: memref<400x16xf32, #tpu.memory_space<vmem>>) attributes {dimension_semantics = [#tpu.dimension_semantics<arbitrary>], iteration_bounds = array<i64: 25>, scalar_prefetch = 0 : i64, scratch_operands = 0 : i64, tpu.core_type = #tpu.core_type<tc>, window_params = [{transform_indices = @transform_0, window_bounds = array<i64: 400, 128>}, {pipeline_mode = #tpu.pipeline_mode<synchronous>, transform_indices = @transform_1, window_bounds = array<i64: 128, 128>}, {transform_indices = @transform_2, window_bounds = array<i64: 2, 400, 16>}, {transform_indices = @transform_3, window_bounds = array<i64: 2, 400, 16>}, {transform_indices = @transform_4, window_bounds = array<i64: 400, 128>}, {transform_indices = @transform_5, window_bounds = array<i64: 400, 16>}, {transform_indices = @transform_6, window_bounds = array<i64: 400, 16>}]} {
    %get3A = arith.constant 0 : index
    %get3A_0 = arith.constant 0 : index
    %get3A_1 = arith.constant 0 : index
    %get3A_2 = vector.load %arg3[%get3A, %get3A_0, %get3A_1] : memref<2x400x16xf32, #tpu.memory_space<vmem>>, vector<1x400x16xf32>
    %get3A_3 = vector.shape_cast %get3A_2 : vector<1x400x16xf32> to vector<400x16xf32>
    %get3A_4 = arith.constant 1 : index
    %get3A_5 = arith.constant 0 : index
    %get3A_6 = arith.constant 0 : index
    %get3A_7 = vector.load %arg3[%get3A_4, %get3A_5, %get3A_6] : memref<2x400x16xf32, #tpu.memory_space<vmem>>, vector<1x400x16xf32>
    %get3A_8 = vector.shape_cast %get3A_7 : vector<1x400x16xf32> to vector<400x16xf32>
    %add3A = arith.addf %get3A_3, %get3A_8 : vector<400x16xf32>
    %max3A = arith.constant 1.000000e+00 : f32
    %max3A_9 = vector.broadcast %max3A : f32 to vector<400x16xf32>
    %max3A_10 = arith.maximumf %add3A, %max3A_9 : vector<400x16xf32>
    %rsqrt3A = math.rsqrt %max3A_10 : vector<400x16xf32>
    %get3A_11 = arith.constant 0 : index
    %get3A_12 = arith.constant 0 : index
    %get3A_13 = arith.constant 0 : index
    %get3A_14 = vector.load %arg4[%get3A_11, %get3A_12, %get3A_13] : memref<2x400x16xf32, #tpu.memory_space<vmem>>, vector<1x400x16xf32>
    %get3A_15 = vector.shape_cast %get3A_14 : vector<1x400x16xf32> to vector<400x16xf32>
    %get3A_16 = arith.constant 1 : index
    %get3A_17 = arith.constant 0 : index
    %get3A_18 = arith.constant 0 : index
    %get3A_19 = vector.load %arg4[%get3A_16, %get3A_17, %get3A_18] : memref<2x400x16xf32, #tpu.memory_space<vmem>>, vector<1x400x16xf32>
    %get3A_20 = vector.shape_cast %get3A_19 : vector<1x400x16xf32> to vector<400x16xf32>
    %add3A_21 = arith.addf %get3A_15, %get3A_20 : vector<400x16xf32>
    %max3A_22 = arith.constant 1.000000e+00 : f32
    %max3A_23 = vector.broadcast %max3A_22 : f32 to vector<400x16xf32>
    %max3A_24 = arith.maximumf %add3A_21, %max3A_23 : vector<400x16xf32>
    %rsqrt3A_25 = math.rsqrt %max3A_24 : vector<400x16xf32>
    %swap3A = arith.constant 0 : index
    %swap3A_26 = arith.constant 0 : index
    %swap3A_27 = vector.load %arg7[%swap3A, %swap3A_26] : memref<400x16xf32, #tpu.memory_space<vmem>>, vector<400x16xf32>
    tpu.vector_store %arg7[%swap3A, %swap3A_26], %rsqrt3A {strides = array<i32>} : memref<400x16xf32, #tpu.memory_space<vmem>>, vector<400x16xf32>,
    %swap3A_28 = arith.constant 0 : index
    %swap3A_29 = arith.constant 0 : index
    %swap3A_30 = vector.load %arg6[%swap3A_28, %swap3A_29] : memref<400x16xf32, #tpu.memory_space<vmem>>, vector<400x16xf32>
    tpu.vector_store %arg6[%swap3A_28, %swap3A_29], %rsqrt3A_25 {strides = array<i32>} : memref<400x16xf32, #tpu.memory_space<vmem>>, vector<400x16xf32>,
    %get3A_31 = arith.constant 0 : index
    %get3A_32 = arith.constant 0 : index
    %get3A_33 = vector.load %arg1[%get3A_31, %get3A_32] : memref<400x128xf32, #tpu.memory_space<vmem>>, vector<400x128xf32>
    %get3A_34 = arith.constant 0 : index
    %get3A_35 = arith.constant 0 : index
    %get3A_36 = vector.load %arg2[%get3A_34, %get3A_35] : memref<128x128xf32, #tpu.memory_space<vmem>>, vector<128x128xf32>
    %dot_general3A = arith.constant dense<0.000000e+00> : vector<400x128xf32>
    %dot_general3A_37 = tpu.matmul %get3A_33, %get3A_36, %dot_general3A {dimension_numbers = #tpu.dot_dimension_numbers<[1], [0], [0], [1], [0, 0, 1, 1], [], []>, transpose_lhs_hint = false} : vector<400x128xf32>, vector<128x128xf32>, vector<400x128xf32> -> vector<400x128xf32>
    %slice3A = vector.extract_strided_slice %rsqrt3A {offsets = [0, 0], sizes = [400, 1], strides = [1, 1]} : vector<400x16xf32> to vector<400x1xf32>
    %mul3A = vector.broadcast %slice3A : vector<400x1xf32> to vector<400x128xf32>
    %mul3A_38 = arith.mulf %dot_general3A_37, %mul3A : vector<400x128xf32>
    %swap3A_39 = arith.constant 0 : index
    %swap3A_40 = arith.constant 0 : index
    %swap3A_41 = vector.load %arg5[%swap3A_39, %swap3A_40] : memref<400x128xf32, #tpu.memory_space<vmem>>, vector<400x128xf32>
    tpu.vector_store %arg5[%swap3A_39, %swap3A_40], %mul3A_38 {strides = array<i32>} : memref<400x128xf32, #tpu.memory_space<vmem>>, vector<400x128xf32>,
    return
  }
  func.func @transform_0(%arg0: i32) -> (i32, i32) {
    %c0_i32 = arith.constant 0 : i32
    %c0_i32_0 = arith.constant 0 : i32
    return %arg0, %c0_i32 : i32, i32
  }
  func.func @transform_1(%arg0: i32) -> (i32, i32) {
    %c0_i32 = arith.constant 0 : i32
    %c0_i32_0 = arith.constant 0 : i32
    %c0_i32_1 = arith.constant 0 : i32
    return %c0_i32, %c0_i32_0 : i32, i32
  }
  func.func @transform_2(%arg0: i32) -> (i32, i32, i32) {
    %c0_i32 = arith.constant 0 : i32
    %c0_i32_0 = arith.constant 0 : i32
    %c0_i32_1 = arith.constant 0 : i32
    return %c0_i32, %arg0, %c0_i32_0 : i32, i32, i32
  }
  func.func @transform_3(%arg0: i32) -> (i32, i32, i32) {
    %c0_i32 = arith.constant 0 : i32
    %c0_i32_0 = arith.constant 0 : i32
    %c0_i32_1 = arith.constant 0 : i32
    return %c0_i32, %arg0, %c0_i32_0 : i32, i32, i32
  }
  func.func @transform_4(%arg0: i32) -> (i32, i32) {
    %c0_i32 = arith.constant 0 : i32
    %c0_i32_0 = arith.constant 0 : i32
    return %arg0, %c0_i32 : i32, i32
  }
  func.func @transform_5(%arg0: i32) -> (i32, i32) {
    %c0_i32 = arith.constant 0 : i32
    %c0_i32_0 = arith.constant 0 : i32
    return %arg0, %c0_i32 : i32, i32
  }
  func.func @transform_6(%arg0: i32) -> (i32, i32) {
    %c0_i32 = arith.constant 0 : i32
    %c0_i32_0 = arith.constant 0 : i32
    return %arg0, %c0_i32 : i32, i32
  }
}

module attributes {stable_mosaic.version = 14 : i64} {
  func.func @_tc2_body(%arg0: i32, %arg1: memref<2x400x128xf32, #tpu.memory_space<vmem>>, %arg2: memref<400x16xf32, #tpu.memory_space<vmem>>, %arg3: memref<1x128xf32, #tpu.memory_space<vmem>>, %arg4: memref<128x64xf32, #tpu.memory_space<vmem>>, %arg5: memref<400x16xf32, #tpu.memory_space<vmem>>, %arg6: memref<400x64xf32, #tpu.memory_space<vmem>>) attributes {dimension_semantics = [#tpu.dimension_semantics<arbitrary>], iteration_bounds = array<i64: 25>, scalar_prefetch = 0 : i64, scratch_operands = 0 : i64, tpu.core_type = #tpu.core_type<tc>, window_params = [{transform_indices = @transform_0, window_bounds = array<i64: 2, 400, 128>}, {transform_indices = @transform_1, window_bounds = array<i64: 400, 16>}, {pipeline_mode = #tpu.pipeline_mode<synchronous>, transform_indices = @transform_2, window_bounds = array<i64: 1, 128>}, {pipeline_mode = #tpu.pipeline_mode<synchronous>, transform_indices = @transform_3, window_bounds = array<i64: 128, 64>}, {transform_indices = @transform_4, window_bounds = array<i64: 400, 16>}, {transform_indices = @transform_5, window_bounds = array<i64: 400, 64>}]} {
    %get3A = arith.constant 0 : index
    %get3A_0 = arith.constant 0 : index
    %get3A_1 = arith.constant 0 : index
    %get3A_2 = vector.load %arg1[%get3A, %get3A_0, %get3A_1] : memref<2x400x128xf32, #tpu.memory_space<vmem>>, vector<1x400x128xf32>
    %get3A_3 = vector.shape_cast %get3A_2 : vector<1x400x128xf32> to vector<400x128xf32>
    %get3A_4 = arith.constant 1 : index
    %get3A_5 = arith.constant 0 : index
    %get3A_6 = arith.constant 0 : index
    %get3A_7 = vector.load %arg1[%get3A_4, %get3A_5, %get3A_6] : memref<2x400x128xf32, #tpu.memory_space<vmem>>, vector<1x400x128xf32>
    %get3A_8 = vector.shape_cast %get3A_7 : vector<1x400x128xf32> to vector<400x128xf32>
    %add3A = arith.addf %get3A_3, %get3A_8 : vector<400x128xf32>
    %get3A_9 = arith.constant 0 : index
    %get3A_10 = arith.constant 0 : index
    %get3A_11 = vector.load %arg2[%get3A_9, %get3A_10] : memref<400x16xf32, #tpu.memory_space<vmem>>, vector<400x16xf32>
    %slice3A = vector.extract_strided_slice %get3A_11 {offsets = [0, 0], sizes = [400, 1], strides = [1, 1]} : vector<400x16xf32> to vector<400x1xf32>
    %mul3A = vector.broadcast %slice3A : vector<400x1xf32> to vector<400x128xf32>
    %mul3A_12 = arith.mulf %add3A, %mul3A : vector<400x128xf32>
    %get3A_13 = arith.constant 0 : index
    %get3A_14 = arith.constant 0 : index
    %get3A_15 = vector.load %arg3[%get3A_13, %get3A_14] : memref<1x128xf32, #tpu.memory_space<vmem>>, vector<1x128xf32>
    %add3A_16 = vector.broadcast %get3A_15 : vector<1x128xf32> to vector<400x128xf32>
    %add3A_17 = arith.addf %mul3A_12, %add3A_16 : vector<400x128xf32>
    %max3A = arith.constant 0.000000e+00 : f32
    %max3A_18 = vector.broadcast %max3A : f32 to vector<400x128xf32>
    %max3A_19 = arith.maximumf %add3A_17, %max3A_18 : vector<400x128xf32>
    %get3A_20 = arith.constant 0 : index
    %get3A_21 = arith.constant 0 : index
    %get3A_22 = vector.load %arg4[%get3A_20, %get3A_21] : memref<128x64xf32, #tpu.memory_space<vmem>>, vector<128x64xf32>
    %dot_general3A = arith.constant dense<0.000000e+00> : vector<400x64xf32>
    %dot_general3A_23 = tpu.matmul %max3A_19, %get3A_22, %dot_general3A {dimension_numbers = #tpu.dot_dimension_numbers<[1], [0], [0], [1], [0, 0, 1, 1], [], []>, transpose_lhs_hint = false} : vector<400x128xf32>, vector<128x64xf32>, vector<400x64xf32> -> vector<400x64xf32>
    %get3A_24 = arith.constant 0 : index
    %get3A_25 = arith.constant 0 : index
    %get3A_26 = vector.load %arg5[%get3A_24, %get3A_25] : memref<400x16xf32, #tpu.memory_space<vmem>>, vector<400x16xf32>
    %slice3A_27 = vector.extract_strided_slice %get3A_26 {offsets = [0, 0], sizes = [400, 1], strides = [1, 1]} : vector<400x16xf32> to vector<400x1xf32>
    %mul3A_28 = vector.broadcast %slice3A_27 : vector<400x1xf32> to vector<400x64xf32>
    %mul3A_29 = arith.mulf %dot_general3A_23, %mul3A_28 : vector<400x64xf32>
    %swap3A = arith.constant 0 : index
    %swap3A_30 = arith.constant 0 : index
    %swap3A_31 = vector.load %arg6[%swap3A, %swap3A_30] : memref<400x64xf32, #tpu.memory_space<vmem>>, vector<400x64xf32>
    tpu.vector_store %arg6[%swap3A, %swap3A_30], %mul3A_29 {strides = array<i32>} : memref<400x64xf32, #tpu.memory_space<vmem>>, vector<400x64xf32>,
    return
  }
  func.func @transform_0(%arg0: i32) -> (i32, i32, i32) {
    %c0_i32 = arith.constant 0 : i32
    %c0_i32_0 = arith.constant 0 : i32
    %c0_i32_1 = arith.constant 0 : i32
    return %c0_i32, %arg0, %c0_i32_0 : i32, i32, i32
  }
  func.func @transform_1(%arg0: i32) -> (i32, i32) {
    %c0_i32 = arith.constant 0 : i32
    %c0_i32_0 = arith.constant 0 : i32
    return %arg0, %c0_i32 : i32, i32
  }
  func.func @transform_2(%arg0: i32) -> (i32, i32) {
    %c0_i32 = arith.constant 0 : i32
    %c0_i32_0 = arith.constant 0 : i32
    %c0_i32_1 = arith.constant 0 : i32
    return %c0_i32, %c0_i32_0 : i32, i32
  }
  func.func @transform_3(%arg0: i32) -> (i32, i32) {
    %c0_i32 = arith.constant 0 : i32
    %c0_i32_0 = arith.constant 0 : i32
    %c0_i32_1 = arith.constant 0 : i32
    return %c0_i32, %c0_i32_0 : i32, i32
  }
  func.func @transform_4(%arg0: i32) -> (i32, i32) {
    %c0_i32 = arith.constant 0 : i32
    %c0_i32_0 = arith.constant 0 : i32
    return %arg0, %c0_i32 : i32, i32
  }
  func.func @transform_5(%arg0: i32) -> (i32, i32) {
    %c0_i32 = arith.constant 0 : i32
    %c0_i32_0 = arith.constant 0 : i32
    return %arg0, %c0_i32 : i32, i32
  }
}

module attributes {stable_mosaic.version = 14 : i64} {
  func.func @_tc3_body(%arg0: i32, %arg1: memref<2x400x64xf32, #tpu.memory_space<vmem>>, %arg2: memref<400x16xf32, #tpu.memory_space<vmem>>, %arg3: memref<1x64xf32, #tpu.memory_space<vmem>>, %arg4: memref<400x64xf32, #tpu.memory_space<vmem>>) attributes {dimension_semantics = [#tpu.dimension_semantics<arbitrary>], iteration_bounds = array<i64: 25>, scalar_prefetch = 0 : i64, scratch_operands = 0 : i64, tpu.core_type = #tpu.core_type<tc>, window_params = [{transform_indices = @transform_0, window_bounds = array<i64: 2, 400, 64>}, {transform_indices = @transform_1, window_bounds = array<i64: 400, 16>}, {pipeline_mode = #tpu.pipeline_mode<synchronous>, transform_indices = @transform_2, window_bounds = array<i64: 1, 64>}, {transform_indices = @transform_3, window_bounds = array<i64: 400, 64>}]} {
    %get3A = arith.constant 0 : index
    %get3A_0 = arith.constant 0 : index
    %get3A_1 = arith.constant 0 : index
    %get3A_2 = vector.load %arg1[%get3A, %get3A_0, %get3A_1] : memref<2x400x64xf32, #tpu.memory_space<vmem>>, vector<1x400x64xf32>
    %get3A_3 = vector.shape_cast %get3A_2 : vector<1x400x64xf32> to vector<400x64xf32>
    %get3A_4 = arith.constant 1 : index
    %get3A_5 = arith.constant 0 : index
    %get3A_6 = arith.constant 0 : index
    %get3A_7 = vector.load %arg1[%get3A_4, %get3A_5, %get3A_6] : memref<2x400x64xf32, #tpu.memory_space<vmem>>, vector<1x400x64xf32>
    %get3A_8 = vector.shape_cast %get3A_7 : vector<1x400x64xf32> to vector<400x64xf32>
    %add3A = arith.addf %get3A_3, %get3A_8 : vector<400x64xf32>
    %get3A_9 = arith.constant 0 : index
    %get3A_10 = arith.constant 0 : index
    %get3A_11 = vector.load %arg2[%get3A_9, %get3A_10] : memref<400x16xf32, #tpu.memory_space<vmem>>, vector<400x16xf32>
    %slice3A = vector.extract_strided_slice %get3A_11 {offsets = [0, 0], sizes = [400, 1], strides = [1, 1]} : vector<400x16xf32> to vector<400x1xf32>
    %mul3A = vector.broadcast %slice3A : vector<400x1xf32> to vector<400x64xf32>
    %mul3A_12 = arith.mulf %add3A, %mul3A : vector<400x64xf32>
    %get3A_13 = arith.constant 0 : index
    %get3A_14 = arith.constant 0 : index
    %get3A_15 = vector.load %arg3[%get3A_13, %get3A_14] : memref<1x64xf32, #tpu.memory_space<vmem>>, vector<1x64xf32>
    %add3A_16 = vector.broadcast %get3A_15 : vector<1x64xf32> to vector<400x64xf32>
    %add3A_17 = arith.addf %mul3A_12, %add3A_16 : vector<400x64xf32>
    %swap3A = arith.constant 0 : index
    %swap3A_18 = arith.constant 0 : index
    %swap3A_19 = vector.load %arg4[%swap3A, %swap3A_18] : memref<400x64xf32, #tpu.memory_space<vmem>>, vector<400x64xf32>
    tpu.vector_store %arg4[%swap3A, %swap3A_18], %add3A_17 {strides = array<i32>} : memref<400x64xf32, #tpu.memory_space<vmem>>, vector<400x64xf32>,
    return
  }
  func.func @transform_0(%arg0: i32) -> (i32, i32, i32) {
    %c0_i32 = arith.constant 0 : i32
    %c0_i32_0 = arith.constant 0 : i32
    %c0_i32_1 = arith.constant 0 : i32
    return %c0_i32, %arg0, %c0_i32_0 : i32, i32, i32
  }
  func.func @transform_1(%arg0: i32) -> (i32, i32) {
    %c0_i32 = arith.constant 0 : i32
    %c0_i32_0 = arith.constant 0 : i32
    return %arg0, %c0_i32 : i32, i32
  }
  func.func @transform_2(%arg0: i32) -> (i32, i32) {
    %c0_i32 = arith.constant 0 : i32
    %c0_i32_0 = arith.constant 0 : i32
    %c0_i32_1 = arith.constant 0 : i32
    return %c0_i32, %c0_i32_0 : i32, i32
  }
  func.func @transform_3(%arg0: i32) -> (i32, i32) {
    %c0_i32 = arith.constant 0 : i32
    %c0_i32_0 = arith.constant 0 : i32
    return %arg0, %c0_i32 : i32, i32
  }
}

</mosaic_0001>

<sc_bundles>
// kernel: kernel.11.cloned.1.call-start
scs
__scs_entry_jumppad:
0x0: {  	(pc) =	sbr.rel $0x88, $3  }
0x1: {  	(tag) =	ssettag $0x0;
	lr =	simm.s32 $0x1  }
0x2: {  	[smem:$0x3F9B] =	sst lr;
	_ =	strace $0xD0000000  }
0x3: {  	_ = 	snop  }
0x4: {  	_ = 	snop  }
0x5: {  	_ = 	snop  }
0x6: {  	_ = 	snop  }
0x7: {  	_ = 	snop  }
__scs_overlays_trampoline_lowered:
0x8: {  	[smem:$0x3FAA] =	sst s0  }
0x9: {  	[smem:$0x3FAB] =	sst s1  }
0xa: {  	[smem:$0x3FAC] =	sst s2  }
0xb: {  	[smem:$0x3FAD] =	sst s3  }
0xc: {  	[smem:$0x3FAE] =	sst s4  }
0xd: {  	[smem:$0x3FAF] =	sst s5  }
0xe: {  	[smem:$0x3FB0] =	sst s6  }
0xf: {  	[smem:$0x3FB1] =	sst s7  }
0x10: {  	[smem:$0x3FB2] =	sst s8  }
0x11: {  	[smem:$0x3FB3] =	sst s9;
	s0 =	simm.s32 @!p0 $0x0  }
0x12: {  	s1 =	sld [smem:$0x3F99];
	s0 =	simm.s32 @p0 $0x1  }
0x13: {  	[smem:$0x3FB4] =	sst s0;
	s0 =	simm.s32 @!p1 $0x0  }
0x14: {  	s2 =	sld [smem:$0x3F98];
	s0 =	simm.s32 @p1 $0x1  }
0x15: {  	[smem:$0x3FB5] =	sst s0;
	s0 =	simm.s32 @!p2 $0x0  }
0x16: {  	s3 =	sld [smem:$0x3FDB];
	s0 =	simm.s32 @p2 $0x1  }
0x17: {  	s4 =	simm.s32 $0x1BF5;
	[smem:$0x3FB7] =	sst s0  }
0x18: {  	s0 =	sld [smem:$0x3F9A];
	_ =	swait.ge [sflag:s4], $0x0  }
0x19: {  	s7 =	sld [smem:$0x3F9B]  }
0x1a: {  	s8 =	sadd.s32 $0xFFFFE003, lr  }
0x1b: {  	s9 =	sadd.s32 $0xFFFFFEF7, lr;
	s5 =	simm.s32 $0xFFFFFFFF;
	p2 =	slt.u32 s8, $0xFFFFF086  }
0x1c: {  	p1 =	slt.u32 s9, $0xF7A;
	s5 =	simm.s32 @!p2 $0x0  }
0x1d: {  	s5 =	simm.s32 @p1 $0x1;
	p0 =	seq.s32 s7, s2  }
0x1e: {  	s7 =	smul.u32 @!p0 $0xF7A, s2;
	p2 =	seq.s32 @!p0 s5, $0x0  }
0x1f: {  	s9 =	smul.u32 $0xF7A, s1;
	s8 =	simm.s32 @!p0 $0x1BF5;
	p2 =	por !p2, p0  }
0x20: {  	[sflag:s8] =	ssyncset.s32 @!p0 $0xFFFFF086;
	s6 =	sadd.s32 @!p0 s3, s7;
	s7 =	simm.s32 @!p0 $0x108  }
0x21: {  	s3 =	sadd.s32 s3, s9;
	s6 =	sadd.s32 @!p0 $0x88, s6;
	s7 =	simm.s32 @p2 $0x1082  }
0x22: {  	[simem:s7], [sflag:s8] =	dma.local @!p0 [hbm:s6], $0xF7A  }
0x23: {  	s9 =	sor.u32 $0xD0000000, s2;
	s6 =	simm.s32 $0x108;
	_ =	swait.ge @!p0 [sflag:s8], $0x0  }
0x24: {  	s3 =	sadd.s32 $0x88, s3;
	s6 =	simm.s32 @!p1 $0x1082;
	[sflag:s4] =	ssyncset.s32 $0xFFFFF086  }
0x25: {  	[simem:s6], [sflag:s4] =	dma.local [hbm:s3], $0xF7A  }
0x26: {  	[smem:$0x3F9B] =	sst s1;
	(tag) =	ssettag s2;
	_ =	strace s9  }
0x27: {  	s1 =	sld [smem:$0x3FAB]  }
0x28: {  	s2 =	sld [smem:$0x3FAC]  }
0x29: {  	s4 =	sld [smem:$0x3FAE]  }
0x2a: {  	p0 =	seq.s32 s5, $0x0;
	s5 =	sld [smem:$0x3FAF]  }
0x2b: {  	s6 =	sld [smem:$0x3FB0]  }
0x2c: {  	s7 =	sld [smem:$0x3FB1]  }
0x2d: {  	s3 =	simm.s32 $0x108;
	s8 =	sld [smem:$0x3FB2]  }
0x2e: {  	s3 =	simm.s32 @!p0 $0x1082;
	s9 =	sld [smem:$0x3FB3]  }
0x2f: {  	lr =	sadd.s32 s0, s3;
	s0 =	sld [smem:$0x3FAA]  }
0x30: {  	s3 =	sld [smem:$0x3FAD]  }
0x31: {  	[smem:$0x3FB6] =	sst s10  }
0x32: {  	s10 =	sld [smem:$0x3FB4];
	_ =	sdelay $0x3  }
0x33: {  	p0 =	seq.s32 s10, $0x1;
	s10 =	sld [smem:$0x3FB6];
	_ =	sdelay $0x3  }
0x34: {  	[smem:$0x3FB6] =	sst s10  }
0x35: {  	s10 =	sld [smem:$0x3FB5];
	_ =	sdelay $0x3  }
0x36: {  	p1 =	seq.s32 s10, $0x1;
	s10 =	sld [smem:$0x3FB6];
	_ =	sdelay $0x3  }
0x37: {  	[smem:$0x3FB6] =	sst s10  }
0x38: {  	s10 =	sld [smem:$0x3FB7]  }
0x39: {  	_ = 	snop;
	(pc) =	sbr.ind lr, $3  }
0x3a: {  	_ = 	snop  }
0x3b: {  	_ = 	snop  }
0x3c: {  	p2 =	seq.s32 s10, $0x1;
	s10 =	sld [smem:$0x3FB6]  }
0x3d: {  	_ =	shalt  }
0x3e: {  	_ =	shalt  }
0x3f: {  	_ =	shalt  }
0x40: {  	_ =	shalt  }
0x41: {  	_ =	shalt  }
0x42: {  	_ =	shalt  }
0x43: {  	_ =	shalt  }
0x44: {  	_ =	shalt  }
0x45: {  	_ =	shalt  }
0x46: {  	_ =	shalt  }
0x47: {  	_ =	shalt  }
0x48: {  	_ =	shalt  }
0x49: {  	_ =	shalt  }
0x4a: {  	_ =	shalt  }
0x4b: {  	_ =	shalt  }
0x4c: {  	_ =	shalt  }
0x4d: {  	_ =	shalt  }
0x4e: {  	_ =	shalt  }
0x4f: {  	_ =	shalt  }
0x50: {  	_ =	shalt  }
0x51: {  	_ =	shalt  }
0x52: {  	_ =	shalt  }
0x53: {  	_ =	shalt  }
0x54: {  	_ =	shalt  }
0x55: {  	_ =	shalt  }
0x56: {  	_ =	shalt  }
0x57: {  	_ =	shalt  }
0x58: {  	_ =	shalt  }
0x59: {  	_ =	shalt  }
0x5a: {  	_ =	shalt  }
0x5b: {  	_ =	shalt  }
0x5c: {  	_ =	shalt  }
0x5d: {  	_ =	shalt  }
0x5e: {  	_ =	shalt  }
0x5f: {  	_ =	shalt  }
0x60: {  	_ =	shalt  }
0x61: {  	_ =	shalt  }
0x62: {  	_ =	shalt  }
0x63: {  	_ =	shalt  }
0x64: {  	_ =	shalt  }
0x65: {  	_ =	shalt  }
0x66: {  	_ =	shalt  }
0x67: {  	_ =	shalt  }
0x68: {  	_ =	shalt  }
0x69: {  	_ =	shalt  }
0x6a: {  	_ =	shalt  }
0x6b: {  	_ =	shalt  }
0x6c: {  	_ =	shalt  }
0x6d: {  	_ =	shalt  }
0x6e: {  	_ =	shalt  }
0x6f: {  	_ =	shalt  }
0x70: {  	_ =	shalt  }
0x71: {  	_ =	shalt  }
0x72: {  	_ =	shalt  }
0x73: {  	_ =	shalt  }
0x74: {  	_ =	shalt  }
0x75: {  	_ =	shalt  }
0x76: {  	_ =	shalt  }
0x77: {  	_ =	shalt  }
0x78: {  	_ =	shalt  }
0x79: {  	_ =	shalt  }
0x7a: {  	_ =	shalt  }
0x7b: {  	_ =	shalt  }
0x7c: {  	_ =	shalt  }
0x7d: {  	_ =	shalt  }
0x7e: {  	_ =	shalt  }
0x7f: {  	_ =	shalt  }
0x80: {  	_ =	shalt  }
0x81: {  	_ =	shalt  }
0x82: {  	_ =	shalt  }
0x83: {  	_ =	shalt  }
0x84: {  	_ =	shalt  }
0x85: {  	_ =	shalt  }
0x86: {  	_ =	shalt  }
0x87: {  	_ =	shalt  }
.Lfunc_end0:
.L_simem_size_0:
called_computation.1_lowered:
.L_overlay_start_0:
0x88: {  	s2 =	sld [smem:$0x3FD9]  }
0x89: {  	s3 =	sld [smem:$0x3FFE];
	_ =	sdelay $0x1  }
0x8a: {  	s1 =	srdreg.scid  }
0x8b: {  	s0 =	sand.u32 $0x1, s1  }
0x8c: {  	s17 =	sshll.u32 s0, $0xA;
	s2 =	sadd.s32 s3, s2  }
0x8d: {  	s2 =	sadd.s32 s2, s17  }
0x8e: {  	[smem:$0x3FC2] =	sst s2  }
0x8f: {  	_ = 	snop  }
0x90: {  	s2 =	sld [smem:$0x3FD0];
	(tm) =	ssettm $0x1  }
0x91: {  	s18 =	sld [smem:$0x3FFB];
	_ =	sdelay $0x3  }
0x92: {  	_ =	strace s18  }
0x93: {  	s3 =	sld [smem:$0x3FFC];
	_ =	sdelay $0x3  }
0x94: {  	_ =	strace s3  }
0x95: {  	s3 =	sld [smem:$0x3FFD];
	_ =	sdelay $0x3  }
0x96: {  	_ =	strace s3  }
0x97: {  	_ =	strace $0x8FFFFFFF  }
0x98: {  	s19 =	sld [smem:$0x3FDB];
	_ =	sdelay $0x1  }
0x99: {  	s4 =	simm.s32 $_scs_section_size  }
0x9a: {  	s5 =	simm.s32 $_size__tile_overlayer_lowered;
	s6 =	simm.s32 $_tile_overlayer_lowered  }
0x9b: {  	s22 =	simm.s32 $0x1BFF;
	s21 =	sshll.u32 s6, $0x1;
	s3 =	sadd.s32 s4, s19  }
0x9c: {  	s7 =	simm.s32 $0x0;
	s20 =	sshll.u32 s5, $0x1;
	s5 =	sadd.s32 s21, s3  }
0x9d: {  	[timem:s7], [sflag:s22] =	dma.local [hbm:s5], s20  }
0x9e: {  	_ =	swait.ge [sflag:s22], s20  }
0x9f: {  	s4 =	ssub.s32 $0x0, s20;
	[sflag:s22] =	ssyncset.done $0x0  }
0xa0: {  	[sflag:s22] =	ssyncadd.s32 s4;
	_ =	sdelay $0x1  }
0xa1: {  	s23 =	simm.s32 $0x1B8B  }
0xa2: {  	_ =	swait.ge [sflag:s23], $0x1  }
0xa3: {  	[sflag:s23] =	ssyncset.done $0x0  }
0xa4: {  	s25 =	simm.s32 $0x1B8E;
	s24 =	sld [smem:$0x3FFE];
	[sflag:s23] =	ssyncadd.s32 $0xFFFFFFFF  }
0xa5: {  	s26 =	simm.s32 $execute0_lowered;
	[smem:$0x3FD2] =	sst s25  }
0xa6: {  	s5 =	sshll.u32 s26, $0x1;
	_ =	strace $0x80000049;
	[dreg:$0x1] =	wrdreg $0xFFFFFFFF  }
0xa7: {  	s28 =	simm.s32 $_size_execute0_lowered;
	s3 =	sadd.s32 s3, s5;
	[dreg:$0x0] =	wrdreg $0x0  }
0xa8: {  	s5 =	sshll.u32 s28, $0x1;
	[dreg:$0x2] =	wrdreg s3  }
0xa9: {  	[dreg:$0x3] =	wrdreg s5  }
0xaa: {  	[dreg:$0x4] =	wrdreg $0xC0  }
0xab: {  	_ =	task [dreg:s7], $0x5FFFF  }
0xac: {  	[dreg:$0x1] =	wrdreg $0xFFFFFFFF  }
0xad: {  	[dreg:$0x0] =	wrdreg $0x60  }
0xae: {  	[dreg:$0x2] =	wrdreg s24  }
0xaf: {  	[dreg:$0x3] =	wrdreg s2  }
0xb0: {  	[dreg:$0x4] =	wrdreg $0xA9000  }
0xb1: {  	[dreg:$0x5] =	wrdreg $0x9  }
0xb2: {  	_ =	task.clear_ibuf [dreg:s7], $0x6FFFF;
	_ =	strace $0x90000049  }
0xb3: {  	s29 =	simm.s32 $0x9;
	_ =	strace $0x8000004B  }
0xb4: {  	_ =	swait.ge [sflag:s29], $0x1  }
0xb5: {  	[sflag:s29] =	ssyncadd.s32 $0xFFFFFFFF  }
0xb6: {  	_ =	strace $0x9000004B  }
0xb7: {  	_ =	sfence  }
0xb8: {  	s30 =	sld [smem:$0x0];
	_ =	sdelay $0x2  }
0xb9: {  	s31 =	sshll.u32 s1, $0xD;
	s1 =	sshrl.u32 s1, $0x2  }
0xba: {  	s3 =	sand.u32 $0x4000, s31;
	s1 =	sadd.s32 s1, s30  }
0xbb: {  	s0 =	sor.u32 s3, s0;
	s1 =	sshll.u32 s1, $0x11  }
0xbc: {  	s0 =	sor.u32 s1, s0  }
0xbd: {  	s0 =	sadd.s32 $0x8F2B, s0  }
0xbe: {  	[sflag:s0] =	ssyncadd.remote.s32 $0x1  }
0xbf: {  	_ =	sfence.sel $0xFFFF  }
0xc0: {  	[dreg:$0x0] =	wrdreg $0xFFFFFFFF;
	(pc) =	sbr.abs _section_cstart, $3  }
0xc1: {  	[dreg:$0x1] =	wrdreg $0xFFFFFFFF  }
0xc2: {  	_ =	task.clear_ibuf [dreg:s7], $0x2FFFF;
	_ =	strace $0x9FFFFFFF  }
0xc3: {  	(tm) =	ssettm $0x7FFFFFFF  }
tec
execute0_lowered:
.L_overlay_start_1:
0x0: {  	(tag) =	ssettag $0x1  }
0x1: {  	s0 =	srdreg.scid  }
0x2: {  	s1 =	rddreg [dreg:$0x0];
	s2 =	stileid.u32;
	s4 =	simm.s32 $0x0  }
0x3: {  	s28 =	simm.s32 $0x6;
	s29 =	simm.s32 $0x2;
	s9 =	smul.u32 $0x14000, s2  }
0x4: {  	s30 =	simm.s32 $0x0;
	s0 =	sand.u32 $0x1, s0;
	s12 =	smul.u32 $0x50000, s2  }
0x5: {  	[smem:$0x7FF] =	sst s4;
	s5 =	sadd.s32 $0x16200, s1;
	s22 =	smul.u32 $0x2800, s2  }
0x6: {  	s14 =	sadd.s32 $0x2200, s1;
	s31 =	sshll.u32 s2, $0x6;
	s8 =	smul.u32 $0x140000, s0  }
0x7: {  	s3 =	sshll.u32 s0, $0x4;
	s17 =	ssub.s32 $0x2, s0;
	s0 =	smul.u32 $0x28000, s0  }
0x8: {  	s6 =	sor.u32 s2, s3;
	s3 =	rddreg [dreg:$0x2];
	_ =	strace $0x8000004A  }
0x9: {  	s19 =	sshrl.u32 s17, $0x1;
	s20 =	sshrl.u32 s12, $0x2;
	s7 =	smul.u32 $0x500, s6  }
0xa: {  	s10 =	smul.u32 $0x2800, s6;
	s15 =	sadd.s32 s9, s8;
	s13 =	ssub.s32 s17, s19  }
0xb: {  	s20 =	sadd.s32 s20, s3;
	s0 =	sadd.s32 s22, s0;
	s17 =	simm.s32 $0x2900  }
0xc: {  	s19 =	sor.u32 $0x1C07, s31;
	s22 =	simm.s32 $0x6900;
	s16 =	sshrl.u32 s15, $0x3  }
0xd: {  	s25 =	sor.u32 $0x280, s0;
	s0 =	sor.u32 $0x200, s0;
	s20 =	sshrl.u32 s20, $0x3  }
0xe: {  	s11 =	sadd.s32 s7, s1;
	s18 =	sshrl.u32 s10, $0x3;
	s1 =	sadd.s32 s16, s1  }
0xf: {  	s21 =	sor.u32 $0x100, s10;
	s15 =	sor.u32 $0x180, s10;
	s10 =	smax.u32 s13, $0x1  }
0x10: {  	s26 =	sshrl.u32 s25, $0x3;
	s0 =	sshrl.u32 s0, $0x3;
	s16 =	simm.s32 $0x80  }
0x11: {  	s25 =	simm.s32 $0x5;
	s6 =	sadd.s32 s14, s18;
	s8 =	sadd.s32 $0xC200, s11  }
.Ltmp0:
0x12: {  	s9 =	sadd.s32 $0x3D400, s1;
	s23 =	sshrl.u32 s21, $0x3;
	(pc) =	sbr.rel .LBB2_1-.Ltmp0, $4  }
0x13: {  	s24 =	sshrl.u32 s15, $0x3;
	s13 =	sadd.s32 s26, s14;
	s15 =	simm.s32 $0x7  }
0x14: {  	s18 =	simm.s32 $0x100;
	s21 =	simm.s32 $0x3;
	s26 =	simm.s32 $0x1  }
0x15: {  	s7 =	sadd.s32 $0x10, s6;
	s11 =	sadd.s32 s14, s23;
	s12 =	sadd.s32 s14, s24  }
0x16: {  	s14 =	sadd.s32 s0, s14;
	s23 =	simm.s32 $0x4;
	s24 =	simm.s32 $0x180  }
.LBB2_4:
0x17: {  	[spmem:s3] =	stream.indirect.scatter.add.f32 [tilespmem:s22], [sflag:$0x6], $0x80, s0, s16, $0xb8;
	[tilespmem:$0x1E900] =	vst v63  }
0x18: {  	_ =	swait.ge [sflag:s25], $0x4000  }
0x19: {  	[sflag:s25] =	ssyncset.done $0x0  }
0x1a: {  	[sflag:s25] =	ssyncadd.s32 $0xFFFFC000  }
0x1b: {  	_ =	swait.ge [sflag:s28], $0x4000  }
0x1c: {  	s30 =	sadd.s32 $0x1, s30;
	[sflag:s28] =	ssyncset.done $0x0  }
0x1d: {  	p0 =	sne.s32 s30, s10;
	[sflag:s28] =	ssyncadd.s32 $0xFFFFC000  }
.Ltmp1:
0x1e: {  	[bflag:$0x0] =	sbarrier.arrive $0xFFFF;
	(pc) =	sbr.rel @!p0 .LBB2_5-.Ltmp1, $4  }
0x1f: {  	[hbm:s9], [sflag:s19] =	dma.local [spmem:s20], $0x2800  }
0x20: {  	_ =	swait.ge [sflag:s15], $0x2800  }
0x21: {  	[sflag:s15] =	ssyncset.done $0x0  }
0x22: {  	[sflag:s15] =	ssyncadd.s32 $0xFFFFD800  }
.LBB2_1:
0x23: {  	[tilespmem:s4], [sflag:$0x7] =	stream.linear.gather [hbm4b:s6+s4], $0x80, $0x38;
	[tilespmem:$0x1E900] =	vst v63  }
0x24: {  	_ =	swait.ge [sflag:s15], $0x80  }
0x25: {  	[sflag:s15] =	ssyncset.done $0x0  }
0x26: {  	[sflag:s15] =	ssyncadd.s32 $0xFFFFFF80  }
0x27: {  	[tilespmem:s17], [sflag:$0x3] =	stream.indirect.gather [hbm4b:s5+s16], $0x80, s4, s16, $0xb8;
	[tilespmem:$0x1E900] =	vst v63  }
0x28: {  	_ = 	snop  }
0x29: {  	[tilespmem:s16], [sflag:$0x7] =	stream.linear.gather [hbm4b:s7+s4], $0x80, $0x38;
	[tilespmem:$0x1E900] =	vst v63  }
0x2a: {  	_ =	swait.ge [sflag:s15], $0x80  }
0x2b: {  	[sflag:s15] =	ssyncset.done $0x0  }
0x2c: {  	[sflag:s15] =	ssyncadd.s32 $0xFFFFFF80  }
0x2d: {  	[tilespmem:s18], [sflag:$0x7] =	stream.linear.gather [hbm4b:s8+s4], $0x2800, $0x38;
	[tilespmem:$0x1E900] =	vst v63  }
0x2e: {  	_ =	swait.ge [sflag:s15], $0x2800  }
0x2f: {  	[sflag:s15] =	ssyncset.done $0x0  }
0x30: {  	[sflag:s15] =	ssyncadd.s32 $0xFFFFD800  }
0x31: {  	s0 =	rddreg [dreg:$0x1]  }
0x32: {  	[spmem:s20], [sflag:s19] =	dma.local [hbm:s0], $0x2800  }
0x33: {  	_ =	swait.ge [sflag:s15], $0x2800  }
0x34: {  	[sflag:s15] =	ssyncset.done $0x0  }
0x35: {  	[sflag:s15] =	ssyncadd.s32 $0xFFFFD800  }
0x36: {  	[bflag:$0x0] =	sbarrier.arrive $0xFFFF  }
0x37: {  	_ =	swait.ge [sflag:s21], $0x4000  }
0x38: {  	[sflag:s21] =	ssyncset.done $0x0  }
0x39: {  	[sflag:s21] =	ssyncadd.s32 $0xFFFFC000  }
0x3a: {  	[tilespmem:s4], [sflag:$0x1] =	stream.linear.gather [hbm4b:s11+s4], $0x80, $0x38;
	[tilespmem:$0x1E900] =	vst v63  }
0x3b: {  	_ = 	snop  }
0x3c: {  	[spmem:s3] =	stream.indirect.scatter.add.f32 [tilespmem:s17], [sflag:$0x5], $0x80, s18, s16, $0xb8;
	[tilespmem:$0x1E900] =	vst v63  }
0x3d: {  	_ = 	snop  }
0x3e: {  	[tilespmem:s22], [sflag:$0x4] =	stream.indirect.gather [hbm4b:s5+s16], $0x80, s16, s16, $0xb8;
	[tilespmem:$0x1E900] =	vst v63  }
0x3f: {  	_ =	swait.ge [sflag:s23], $0x4000  }
0x40: {  	[sflag:s23] =	ssyncset.done $0x0  }
0x41: {  	[sflag:s23] =	ssyncadd.s32 $0xFFFFC000  }
0x42: {  	[tilespmem:s16], [sflag:$0x2] =	stream.linear.gather [hbm4b:s12+s4], $0x80, $0x38;
	[tilespmem:$0x1E900] =	vst v63  }
0x43: {  	_ = 	snop  }
0x44: {  	[spmem:s3] =	stream.indirect.scatter.add.f32 [tilespmem:s22], [sflag:$0x6], $0x80, s24, s16, $0xb8;
	[tilespmem:$0x1E900] =	vst v63  }
0x45: {  	_ =	swait.ge [sflag:s25], $0x4000  }
0x46: {  	[sflag:s25] =	ssyncset.done $0x0  }
0x47: {  	[sflag:s25] =	ssyncadd.s32 $0xFFFFC000  }
0x48: {  	_ =	swait.ge [sflag:s26], $0x80  }
0x49: {  	[sflag:s26] =	ssyncset.done $0x0  }
0x4a: {  	s31 =	simm.s32 $0x200;
	s1 =	simm.s32 $0x0;
	[sflag:s26] =	ssyncadd.s32 $0xFFFFFF80  }
0x4b: {  	[tilespmem:s17], [sflag:$0x3] =	stream.indirect.gather [hbm4b:s5+s16], $0x80, s4, s16, $0xb8;
	[tilespmem:$0x1E900] =	vst v63  }
.LBB2_2:
0x4c: {  	_ =	swait.ge [sflag:s21], $0x4000  }
0x4d: {  	p0 =	seq.s32 s1, $0x4C0;
	[sflag:s21] =	ssyncset.done $0x0  }
0x4e: {  	s0 =	sadd.s32 @!p0 s1, s14;
	s2 =	simm.s32 @!p0 $0x0;
	[sflag:s21] =	ssyncadd.s32 $0xFFFFC000  }
0x4f: {  	[tilespmem:s2], [sflag:$0x1] =	stream.linear.gather @!p0 [hbm4b:s0+s2], $0x80, $0x38;
	[tilespmem:$0x1E900] =	vst v63  }
0x50: {  	s0 =	smov.u32 s31  }
0x51: {  	s0 =	simm.s32 @p0 $0x2800  }
0x52: {  	[spmem:s3] =	stream.indirect.scatter.add.f32 [tilespmem:s17], [sflag:$0x5], $0x80, s0, s16, $0xb8;
	[tilespmem:$0x1E900] =	vst v63  }
0x53: {  	_ =	swait.ge [sflag:s28], $0x4000  }
0x54: {  	[sflag:s28] =	ssyncset.done $0x0  }
0x55: {  	[sflag:s28] =	ssyncadd.s32 $0xFFFFC000  }
0x56: {  	_ =	swait.ge [sflag:s29], $0x80  }
0x57: {  	[sflag:s29] =	ssyncset.done $0x0  }
.Ltmp2:
0x58: {  	[sflag:s29] =	ssyncadd.s32 $0xFFFFFF80;
	(pc) =	sbr.rel @p0 .LBB2_4-.Ltmp2, $4  }
0x59: {  	[tilespmem:s22], [sflag:$0x4] =	stream.indirect.gather [hbm4b:s5+s16], $0x80, s16, s16, $0xb8;
	[tilespmem:$0x1E900] =	vst v63  }
0x5a: {  	_ =	swait.ge [sflag:s23], $0x4000  }
0x5b: {  	[sflag:s23] =	ssyncset.done $0x0  }
0x5c: {  	s0 =	sadd.s32 $0x80, s0;
	[sflag:s23] =	ssyncadd.s32 $0xFFFFC000  }
0x5d: {  	s2 =	sadd.s32 s1, s13  }
0x5e: {  	[tilespmem:s16], [sflag:$0x2] =	stream.linear.gather [hbm4b:s2+s4], $0x80, $0x38;
	[tilespmem:$0x1E900] =	vst v63  }
0x5f: {  	_ = 	snop  }
0x60: {  	[spmem:s3] =	stream.indirect.scatter.add.f32 [tilespmem:s22], [sflag:$0x6], $0x80, s0, s16, $0xb8;
	[tilespmem:$0x1E900] =	vst v63  }
0x61: {  	_ =	swait.ge [sflag:s25], $0x4000  }
0x62: {  	[sflag:s25] =	ssyncset.done $0x0  }
.Ltmp3:
0x63: {  	[sflag:s25] =	ssyncadd.s32 $0xFFFFC000;
	(pc) =	sbr.rel .LBB2_2-.Ltmp3, $4  }
0x64: {  	_ =	swait.ge [sflag:s26], $0x80  }
0x65: {  	[sflag:s26] =	ssyncset.done $0x0  }
0x66: {  	s1 =	sadd.s32 $0x20, s1;
	s31 =	sadd.s32 $0x100, s31;
	[sflag:s26] =	ssyncadd.s32 $0xFFFFFF80  }
0x67: {  	[tilespmem:s17], [sflag:$0x3] =	stream.indirect.gather [hbm4b:s5+s16], $0x80, s4, s16, $0xb8;
	[tilespmem:$0x1E900] =	vst v63  }
.LBB2_5:
0x68: {  	_ =	sfence.sel $0x180000  }
0x69: {  	[bflag:$0x0] =	sbarrier.arrive $0xFFFF  }
0x6a: {  	_ =	strace $0x9000004A  }
0x6b: {  	s0 =	stileid.u32;
	[bflag:$0x2] =	sbarrier.arrive $0xFFFF  }
0x6c: {  	p0 =	sne.s32 s0, $0x0;
	s0 =	rddreg [dreg:$0x3]  }
0x6d: {  	s0 =	sadd.s32 @!p0 $0x100000, s0  }
0x6e: {  	[sflag:s0] =	ssyncadd.tile.s32 @!p0 $0x1;
	_ =	shalt  }
.Lfunc_end2:
_tile_overlayer_lowered:
.L_overlay_start_2:
0x6f: {  	(tag) =	ssettag $0x2  }
0x70: {  	s0 =	rddreg [dreg:$0x0];
	s2 =	stileid.u32  }
0x71: {  	s1 =	rddreg [dreg:$0x1];
	p0 =	sne.s32 s2, $0x0  }
0x72: {  	s3 =	rddreg [dreg:$0x2];
	[bflag:$0x3] =	sbarrier.arrive $0xFFFF;
	s2 =	simm.s32 @!p0 $0x1C07  }
0x73: {  	[timem:s3], [sflag:s2] =	dma.local @!p0 [hbm:s0], s1  }
0x74: {  	s0 =	simm.s32 @!p0 $0x7  }
0x75: {  	_ =	swait.ge @!p0 [sflag:s0], s1  }
0x76: {  	s1 =	ssub.s32 @!p0 $0x0, s1;
	[sflag:s0] =	ssyncset.done @!p0 $0x0  }
0x77: {  	[sflag:s0] =	ssyncadd.s32 @!p0 s1  }
0x78: {  	[bflag:$0x3] =	sbarrier.arrive $0xFFFF  }
0x79: {  	_ =	shalt  }

// kernel: kernel.14.cloned.1.call-start
scs
__scs_entry_jumppad:
0x0: {  	(pc) =	sbr.rel $0x88, $3  }
0x1: {  	(tag) =	ssettag $0x0;
	lr =	simm.s32 $0x1  }
0x2: {  	[smem:$0x3F9B] =	sst lr;
	_ =	strace $0xD0000000  }
0x3: {  	_ = 	snop  }
0x4: {  	_ = 	snop  }
0x5: {  	_ = 	snop  }
0x6: {  	_ = 	snop  }
0x7: {  	_ = 	snop  }
__scs_overlays_trampoline_lowered:
0x8: {  	[smem:$0x3FAA] =	sst s0  }
0x9: {  	[smem:$0x3FAB] =	sst s1  }
0xa: {  	[smem:$0x3FAC] =	sst s2  }
0xb: {  	[smem:$0x3FAD] =	sst s3  }
0xc: {  	[smem:$0x3FAE] =	sst s4  }
0xd: {  	[smem:$0x3FAF] =	sst s5  }
0xe: {  	[smem:$0x3FB0] =	sst s6  }
0xf: {  	[smem:$0x3FB1] =	sst s7  }
0x10: {  	[smem:$0x3FB2] =	sst s8  }
0x11: {  	[smem:$0x3FB3] =	sst s9;
	s0 =	simm.s32 @!p0 $0x0  }
0x12: {  	s1 =	sld [smem:$0x3F99];
	s0 =	simm.s32 @p0 $0x1  }
0x13: {  	[smem:$0x3FB4] =	sst s0;
	s0 =	simm.s32 @!p1 $0x0  }
0x14: {  	s2 =	sld [smem:$0x3F98];
	s0 =	simm.s32 @p1 $0x1  }
0x15: {  	[smem:$0x3FB5] =	sst s0;
	s0 =	simm.s32 @!p2 $0x0  }
0x16: {  	s3 =	sld [smem:$0x3FDB];
	s0 =	simm.s32 @p2 $0x1  }
0x17: {  	s4 =	simm.s32 $0x1BF5;
	[smem:$0x3FB7] =	sst s0  }
0x18: {  	s0 =	sld [smem:$0x3F9A];
	_ =	swait.ge [sflag:s4], $0x0  }
0x19: {  	s7 =	sld [smem:$0x3F9B]  }
0x1a: {  	s8 =	sadd.s32 $0xFFFFE003, lr  }
0x1b: {  	s9 =	sadd.s32 $0xFFFFFEF7, lr;
	s5 =	simm.s32 $0xFFFFFFFF;
	p2 =	slt.u32 s8, $0xFFFFF086  }
0x1c: {  	p1 =	slt.u32 s9, $0xF7A;
	s5 =	simm.s32 @!p2 $0x0  }
0x1d: {  	s5 =	simm.s32 @p1 $0x1;
	p0 =	seq.s32 s7, s2  }
0x1e: {  	s7 =	smul.u32 @!p0 $0xF7A, s2;
	p2 =	seq.s32 @!p0 s5, $0x0  }
0x1f: {  	s9 =	smul.u32 $0xF7A, s1;
	s8 =	simm.s32 @!p0 $0x1BF5;
	p2 =	por !p2, p0  }
0x20: {  	[sflag:s8] =	ssyncset.s32 @!p0 $0xFFFFF086;
	s6 =	sadd.s32 @!p0 s3, s7;
	s7 =	simm.s32 @!p0 $0x108  }
0x21: {  	s3 =	sadd.s32 s3, s9;
	s6 =	sadd.s32 @!p0 $0x88, s6;
	s7 =	simm.s32 @p2 $0x1082  }
0x22: {  	[simem:s7], [sflag:s8] =	dma.local @!p0 [hbm:s6], $0xF7A  }
0x23: {  	s9 =	sor.u32 $0xD0000000, s2;
	s6 =	simm.s32 $0x108;
	_ =	swait.ge @!p0 [sflag:s8], $0x0  }
0x24: {  	s3 =	sadd.s32 $0x88, s3;
	s6 =	simm.s32 @!p1 $0x1082;
	[sflag:s4] =	ssyncset.s32 $0xFFFFF086  }
0x25: {  	[simem:s6], [sflag:s4] =	dma.local [hbm:s3], $0xF7A  }
0x26: {  	[smem:$0x3F9B] =	sst s1;
	(tag) =	ssettag s2;
	_ =	strace s9  }
0x27: {  	s1 =	sld [smem:$0x3FAB]  }
0x28: {  	s2 =	sld [smem:$0x3FAC]  }
0x29: {  	s4 =	sld [smem:$0x3FAE]  }
0x2a: {  	p0 =	seq.s32 s5, $0x0;
	s5 =	sld [smem:$0x3FAF]  }
0x2b: {  	s6 =	sld [smem:$0x3FB0]  }
0x2c: {  	s7 =	sld [smem:$0x3FB1]  }
0x2d: {  	s3 =	simm.s32 $0x108;
	s8 =	sld [smem:$0x3FB2]  }
0x2e: {  	s3 =	simm.s32 @!p0 $0x1082;
	s9 =	sld [smem:$0x3FB3]  }
0x2f: {  	lr =	sadd.s32 s0, s3;
	s0 =	sld [smem:$0x3FAA]  }
0x30: {  	s3 =	sld [smem:$0x3FAD]  }
0x31: {  	[smem:$0x3FB6] =	sst s10  }
0x32: {  	s10 =	sld [smem:$0x3FB4];
	_ =	sdelay $0x3  }
0x33: {  	p0 =	seq.s32 s10, $0x1;
	s10 =	sld [smem:$0x3FB6];
	_ =	sdelay $0x3  }
0x34: {  	[smem:$0x3FB6] =	sst s10  }
0x35: {  	s10 =	sld [smem:$0x3FB5];
	_ =	sdelay $0x3  }
0x36: {  	p1 =	seq.s32 s10, $0x1;
	s10 =	sld [smem:$0x3FB6];
	_ =	sdelay $0x3  }
0x37: {  	[smem:$0x3FB6] =	sst s10  }
0x38: {  	s10 =	sld [smem:$0x3FB7]  }
0x39: {  	_ = 	snop;
	(pc) =	sbr.ind lr, $3  }
0x3a: {  	_ = 	snop  }
0x3b: {  	_ = 	snop  }
0x3c: {  	p2 =	seq.s32 s10, $0x1;
	s10 =	sld [smem:$0x3FB6]  }
0x3d: {  	_ =	shalt  }
0x3e: {  	_ =	shalt  }
0x3f: {  	_ =	shalt  }
0x40: {  	_ =	shalt  }
0x41: {  	_ =	shalt  }
0x42: {  	_ =	shalt  }
0x43: {  	_ =	shalt  }
0x44: {  	_ =	shalt  }
0x45: {  	_ =	shalt  }
0x46: {  	_ =	shalt  }
0x47: {  	_ =	shalt  }
0x48: {  	_ =	shalt  }
0x49: {  	_ =	shalt  }
0x4a: {  	_ =	shalt  }
0x4b: {  	_ =	shalt  }
0x4c: {  	_ =	shalt  }
0x4d: {  	_ =	shalt  }
0x4e: {  	_ =	shalt  }
0x4f: {  	_ =	shalt  }
0x50: {  	_ =	shalt  }
0x51: {  	_ =	shalt  }
0x52: {  	_ =	shalt  }
0x53: {  	_ =	shalt  }
0x54: {  	_ =	shalt  }
0x55: {  	_ =	shalt  }
0x56: {  	_ =	shalt  }
0x57: {  	_ =	shalt  }
0x58: {  	_ =	shalt  }
0x59: {  	_ =	shalt  }
0x5a: {  	_ =	shalt  }
0x5b: {  	_ =	shalt  }
0x5c: {  	_ =	shalt  }
0x5d: {  	_ =	shalt  }
0x5e: {  	_ =	shalt  }
0x5f: {  	_ =	shalt  }
0x60: {  	_ =	shalt  }
0x61: {  	_ =	shalt  }
0x62: {  	_ =	shalt  }
0x63: {  	_ =	shalt  }
0x64: {  	_ =	shalt  }
0x65: {  	_ =	shalt  }
0x66: {  	_ =	shalt  }
0x67: {  	_ =	shalt  }
0x68: {  	_ =	shalt  }
0x69: {  	_ =	shalt  }
0x6a: {  	_ =	shalt  }
0x6b: {  	_ =	shalt  }
0x6c: {  	_ =	shalt  }
0x6d: {  	_ =	shalt  }
0x6e: {  	_ =	shalt  }
0x6f: {  	_ =	shalt  }
0x70: {  	_ =	shalt  }
0x71: {  	_ =	shalt  }
0x72: {  	_ =	shalt  }
0x73: {  	_ =	shalt  }
0x74: {  	_ =	shalt  }
0x75: {  	_ =	shalt  }
0x76: {  	_ =	shalt  }
0x77: {  	_ =	shalt  }
0x78: {  	_ =	shalt  }
0x79: {  	_ =	shalt  }
0x7a: {  	_ =	shalt  }
0x7b: {  	_ =	shalt  }
0x7c: {  	_ =	shalt  }
0x7d: {  	_ =	shalt  }
0x7e: {  	_ =	shalt  }
0x7f: {  	_ =	shalt  }
0x80: {  	_ =	shalt  }
0x81: {  	_ =	shalt  }
0x82: {  	_ =	shalt  }
0x83: {  	_ =	shalt  }
0x84: {  	_ =	shalt  }
0x85: {  	_ =	shalt  }
0x86: {  	_ =	shalt  }
0x87: {  	_ =	shalt  }
.Lfunc_end0:
.L_simem_size_0:
called_computation.2_lowered:
.L_overlay_start_0:
0x88: {  	s2 =	sld [smem:$0x3FD9]  }
0x89: {  	s3 =	sld [smem:$0x3FFE];
	_ =	sdelay $0x1  }
0x8a: {  	s1 =	srdreg.scid  }
0x8b: {  	s0 =	sand.u32 $0x1, s1  }
0x8c: {  	s17 =	sshll.u32 s0, $0xA;
	s2 =	sadd.s32 s3, s2  }
0x8d: {  	s2 =	sadd.s32 s2, s17  }
0x8e: {  	[smem:$0x3FC2] =	sst s2  }
0x8f: {  	_ = 	snop  }
0x90: {  	s2 =	sld [smem:$0x3FD0];
	(tm) =	ssettm $0x1  }
0x91: {  	s18 =	sld [smem:$0x3FFB];
	_ =	sdelay $0x3  }
0x92: {  	_ =	strace s18  }
0x93: {  	s3 =	sld [smem:$0x3FFC];
	_ =	sdelay $0x3  }
0x94: {  	_ =	strace s3  }
0x95: {  	s3 =	sld [smem:$0x3FFD];
	_ =	sdelay $0x3  }
0x96: {  	_ =	strace s3  }
0x97: {  	_ =	strace $0x8FFFFFFF  }
0x98: {  	s19 =	sld [smem:$0x3FDB];
	_ =	sdelay $0x1  }
0x99: {  	s4 =	simm.s32 $_scs_section_size  }
0x9a: {  	s5 =	simm.s32 $_size__tile_overlayer_lowered;
	s6 =	simm.s32 $_tile_overlayer_lowered  }
0x9b: {  	s22 =	simm.s32 $0x1BFF;
	s21 =	sshll.u32 s6, $0x1;
	s3 =	sadd.s32 s4, s19  }
0x9c: {  	s7 =	simm.s32 $0x0;
	s20 =	sshll.u32 s5, $0x1;
	s5 =	sadd.s32 s21, s3  }
0x9d: {  	[timem:s7], [sflag:s22] =	dma.local [hbm:s5], s20  }
0x9e: {  	_ =	swait.ge [sflag:s22], s20  }
0x9f: {  	s4 =	ssub.s32 $0x0, s20;
	[sflag:s22] =	ssyncset.done $0x0  }
0xa0: {  	[sflag:s22] =	ssyncadd.s32 s4;
	_ =	sdelay $0x1  }
0xa1: {  	s23 =	simm.s32 $0x1B8B  }
0xa2: {  	_ =	swait.ge [sflag:s23], $0x1  }
0xa3: {  	[sflag:s23] =	ssyncset.done $0x0  }
0xa4: {  	s25 =	simm.s32 $0x1B8E;
	s24 =	sld [smem:$0x3FFE];
	[sflag:s23] =	ssyncadd.s32 $0xFFFFFFFF  }
0xa5: {  	s26 =	simm.s32 $execute0_lowered;
	[smem:$0x3FD2] =	sst s25  }
0xa6: {  	s5 =	sshll.u32 s26, $0x1;
	_ =	strace $0x8000004C;
	[dreg:$0x1] =	wrdreg $0xFFFFFFFF  }
0xa7: {  	s28 =	simm.s32 $_size_execute0_lowered;
	s3 =	sadd.s32 s3, s5;
	[dreg:$0x0] =	wrdreg $0x0  }
0xa8: {  	s5 =	sshll.u32 s28, $0x1;
	[dreg:$0x2] =	wrdreg s3  }
0xa9: {  	[dreg:$0x3] =	wrdreg s5  }
0xaa: {  	[dreg:$0x4] =	wrdreg $0xC0  }
0xab: {  	_ =	task [dreg:s7], $0x5FFFF  }
0xac: {  	[dreg:$0x1] =	wrdreg $0xFFFFFFFF  }
0xad: {  	[dreg:$0x0] =	wrdreg $0x60  }
0xae: {  	[dreg:$0x2] =	wrdreg s2  }
0xaf: {  	[dreg:$0x3] =	wrdreg s24  }
0xb0: {  	[dreg:$0x4] =	wrdreg $0x90000  }
0xb1: {  	[dreg:$0x5] =	wrdreg $0x9  }
0xb2: {  	_ =	task.clear_ibuf [dreg:s7], $0x6FFFF;
	_ =	strace $0x9000004C  }
0xb3: {  	s29 =	simm.s32 $0x9;
	_ =	strace $0x8000004E  }
0xb4: {  	_ =	swait.ge [sflag:s29], $0x1  }
0xb5: {  	[sflag:s29] =	ssyncadd.s32 $0xFFFFFFFF  }
0xb6: {  	_ =	strace $0x9000004E  }
0xb7: {  	_ =	sfence  }
0xb8: {  	s30 =	sld [smem:$0x0];
	_ =	sdelay $0x2  }
0xb9: {  	s31 =	sshll.u32 s1, $0xD;
	s1 =	sshrl.u32 s1, $0x2  }
0xba: {  	s3 =	sand.u32 $0x4000, s31;
	s1 =	sadd.s32 s1, s30  }
0xbb: {  	s0 =	sor.u32 s3, s0;
	s1 =	sshll.u32 s1, $0x11  }
0xbc: {  	s0 =	sor.u32 s1, s0  }
0xbd: {  	s0 =	sadd.s32 $0x8F2B, s0  }
0xbe: {  	[sflag:s0] =	ssyncadd.remote.s32 $0x1  }
0xbf: {  	_ =	sfence.sel $0xFFFF  }
0xc0: {  	[dreg:$0x0] =	wrdreg $0xFFFFFFFF;
	(pc) =	sbr.abs _section_cstart, $3  }
0xc1: {  	[dreg:$0x1] =	wrdreg $0xFFFFFFFF  }
0xc2: {  	_ =	task.clear_ibuf [dreg:s7], $0x2FFFF;
	_ =	strace $0x9FFFFFFF  }
0xc3: {  	(tm) =	ssettm $0x7FFFFFFF  }
tec
execute0_lowered:
.L_overlay_start_1:
0x0: {  	(tag) =	ssettag $0x1  }
0x1: {  	s2 =	rddreg [dreg:$0x0]  }
0x2: {  	s6 =	rddreg [dreg:$0x1];
	s0 =	srdreg.scid  }
0x3: {  	s3 =	rddreg [dreg:$0x2];
	s1 =	stileid.u32  }
0x4: {  	s4 =	simm.s32 $0x0;
	s11 =	simm.s32 $0x80;
	s12 =	simm.s32 $0x5000  }
0x5: {  	s13 =	simm.s32 $0x2800;
	s16 =	simm.s32 $0x1;
	s17 =	simm.s32 $0x7000  }
0x6: {  	s18 =	simm.s32 $0x2;
	s19 =	simm.s32 $0x2880;
	s20 =	simm.s32 $0x3  }
0x7: {  	s21 =	simm.s32 $0x100;
	s22 =	simm.s32 $0x4;
	s23 =	simm.s32 $0x0  }
0x8: {  	s5 =	sand.u32 $0x1, s0;
	s0 =	rddreg [dreg:$0x3];
	s8 =	smul.u32 $0xA000, s1  }
0x9: {  	[smem:$0x7FF] =	sst s4;
	s14 =	sshll.u32 s1, $0x6;
	s7 =	sshll.u32 s5, $0x4  }
0xa: {  	s9 =	smul.u32 $0xA0000, s5;
	_ =	strace $0x8000004D;
	s7 =	sor.u32 s1, s7  }
0xb: {  	s10 =	ssub.s32 $0x2, s5;
	s5 =	sadd.s32 $0x16200, s6;
	s7 =	smul.u32 $0x500, s7  }
.Ltmp0:
0xc: {  	s14 =	sor.u32 $0x1C05, s14;
	s31 =	sshrl.u32 s10, $0x1;
	(pc) =	sbr.rel .LBB2_1-.Ltmp0, $4  }
0xd: {  	s15 =	sadd.s32 s8, s3;
	s9 =	sadd.s32 s8, s9;
	s10 =	ssub.s32 s10, s31  }
0xe: {  	s15 =	sshrl.u32 s15, $0x3;
	s9 =	sshrl.u32 s9, $0x3;
	s7 =	sadd.s32 s7, s6  }
0xf: {  	s9 =	sadd.s32 s9, s6;
	s6 =	sadd.s32 $0x2200, s7;
	s7 =	sadd.s32 $0xC200, s7  }
0x10: {  	s8 =	sadd.s32 $0x17600, s9;
	s9 =	smax.u32 s10, $0x1;
	s10 =	simm.s32 $0x5  }
.LBB2_4:
0x11: {  	_ =	swait.ge [sflag:s22], $0x2000  }
0x12: {  	s23 =	sadd.s32 $0x1, s23;
	[sflag:s22] =	ssyncset.done $0x0  }
0x13: {  	p0 =	sne.s32 s23, s9;
	[sflag:s22] =	ssyncadd.s32 $0xFFFFE000  }
.Ltmp1:
0x14: {  	[bflag:$0x0] =	sbarrier.arrive $0xFFFF;
	(pc) =	sbr.rel @!p0 .LBB2_5-.Ltmp1, $4  }
0x15: {  	[hbm:s8], [sflag:s14] =	dma.local [spmem:s15], $0x1400  }
0x16: {  	_ =	swait.ge [sflag:s10], $0x1400  }
0x17: {  	[sflag:s10] =	ssyncset.done $0x0  }
0x18: {  	[sflag:s10] =	ssyncadd.s32 $0xFFFFEC00  }
.LBB2_1:
0x19: {  	[tilespmem:s4], [sflag:$0x5] =	stream.linear.gather [hbm4b:s6+s4], $0x2800, $0x38;
	[tilespmem:$0x13000] =	vst v63  }
0x1a: {  	_ =	swait.ge [sflag:s10], $0x2800  }
0x1b: {  	[sflag:s10] =	ssyncset.done $0x0  }
0x1c: {  	[sflag:s10] =	ssyncadd.s32 $0xFFFFD800  }
0x1d: {  	[tilespmem:s12], [sflag:$0x1] =	stream.indirect.gather [hbm4b:s2+s11], $0x40, s4, s11, $0xb8;
	[tilespmem:$0x13000] =	vst v63  }
0x1e: {  	_ = 	snop  }
0x1f: {  	[tilespmem:s13], [sflag:$0x5] =	stream.linear.gather [hbm4b:s7+s4], $0x2800, $0x38;
	[tilespmem:$0x13000] =	vst v63  }
0x20: {  	_ =	swait.ge [sflag:s10], $0x2800  }
0x21: {  	[sflag:s10] =	ssyncset.done $0x0  }
0x22: {  	[sflag:s10] =	ssyncadd.s32 $0xFFFFD800  }
0x23: {  	[spmem:s15], [sflag:s14] =	dma.local [hbm:s5], $0x1400  }
0x24: {  	_ =	swait.ge [sflag:s10], $0x1400  }
0x25: {  	[sflag:s10] =	ssyncset.done $0x0  }
0x26: {  	[sflag:s10] =	ssyncadd.s32 $0xFFFFEC00  }
0x27: {  	[bflag:$0x0] =	sbarrier.arrive $0xFFFF  }
0x28: {  	_ =	swait.ge [sflag:s16], $0x2000  }
0x29: {  	[sflag:s16] =	ssyncset.done $0x0  }
0x2a: {  	[sflag:s16] =	ssyncadd.s32 $0xFFFFE000  }
0x2b: {  	[spmem:s3] =	stream.indirect.scatter.add.f32 [tilespmem:s12], [sflag:$0x3], $0x40, s13, s11, $0xb8;
	[tilespmem:$0x13000] =	vst v63  }
0x2c: {  	_ = 	snop  }
0x2d: {  	[tilespmem:s17], [sflag:$0x2] =	stream.indirect.gather [hbm4b:s2+s11], $0x40, s11, s11, $0xb8;
	[tilespmem:$0x13000] =	vst v63  }
0x2e: {  	_ =	swait.ge [sflag:s18], $0x2000  }
0x2f: {  	[sflag:s18] =	ssyncset.done $0x0  }
0x30: {  	[sflag:s18] =	ssyncadd.s32 $0xFFFFE000  }
0x31: {  	[spmem:s3] =	stream.indirect.scatter.add.f32 [tilespmem:s17], [sflag:$0x4], $0x40, s19, s11, $0xb8;
	[tilespmem:$0x13000] =	vst v63  }
0x32: {  	_ =	swait.ge [sflag:s20], $0x2000  }
0x33: {  	[sflag:s20] =	ssyncset.done $0x0  }
0x34: {  	s24 =	simm.s32 $0xFFFF6800;
	[sflag:s20] =	ssyncadd.s32 $0xFFFFE000  }
0x35: {  	[tilespmem:s12], [sflag:$0x1] =	stream.indirect.gather [hbm4b:s2+s11], $0x40, s21, s11, $0xb8;
	[tilespmem:$0x13000] =	vst v63  }
.LBB2_2:
0x36: {  	_ =	swait.ge [sflag:s16], $0x2000  }
0x37: {  	s25 =	sshra.s32 s24, $0x2;
	[sflag:s16] =	ssyncset.done $0x0  }
0x38: {  	s26 =	sadd.s32 $0x4F00, s25;
	[sflag:s16] =	ssyncadd.s32 $0xFFFFE000  }
0x39: {  	[spmem:s3] =	stream.indirect.scatter.add.f32 [tilespmem:s12], [sflag:$0x3], $0x40, s26, s11, $0xb8;
	[tilespmem:$0x13000] =	vst v63  }
0x3a: {  	_ =	swait.ge [sflag:s22], $0x2000  }
0x3b: {  	[sflag:s22] =	ssyncset.done $0x0  }
0x3c: {  	s30 =	sadd.s32 $0x2780, s25;
	[sflag:s22] =	ssyncadd.s32 $0xFFFFE000  }
0x3d: {  	[tilespmem:s17], [sflag:$0x2] =	stream.indirect.gather [hbm4b:s2+s11], $0x40, s30, s11, $0xb8;
	[tilespmem:$0x13000] =	vst v63  }
0x3e: {  	_ =	swait.ge [sflag:s18], $0x2000  }
0x3f: {  	p0 =	seq.s32 s24, $0x0;
	[sflag:s18] =	ssyncset.done $0x0  }
.Ltmp2:
0x40: {  	s31 =	sadd.s32 $0x4F80, s25;
	[sflag:s18] =	ssyncadd.s32 $0xFFFFE000;
	(pc) =	sbr.rel @p0 .LBB2_4-.Ltmp2, $4  }
0x41: {  	[spmem:s3] =	stream.indirect.scatter.add.f32 [tilespmem:s17], [sflag:$0x4], $0x40, s31, s11, $0xb8;
	[tilespmem:$0x13000] =	vst v63  }
0x42: {  	_ =	swait.ge [sflag:s20], $0x2000  }
0x43: {  	[sflag:s20] =	ssyncset.done $0x0  }
0x44: {  	[sflag:s20] =	ssyncadd.s32 $0xFFFFE000  }
.Ltmp3:
0x45: {  	(pc) =	sbr.rel .LBB2_2-.Ltmp3, $3  }
0x46: {  	_ =	sdelay $0x1  }
0x47: {  	s25 =	sadd.s32 $0x2800, s25;
	s24 =	sadd.s32 $0x400, s24  }
0x48: {  	[tilespmem:s12], [sflag:$0x1] =	stream.indirect.gather [hbm4b:s2+s11], $0x40, s25, s11, $0xb8;
	[tilespmem:$0x13000] =	vst v63  }
.LBB2_5:
0x49: {  	_ =	sfence.sel $0x180000  }
0x4a: {  	[bflag:$0x0] =	sbarrier.arrive $0xFFFF  }
0x4b: {  	p0 =	sne.s32 s1, $0x0;
	_ =	strace $0x9000004D  }
0x4c: {  	s0 =	sadd.s32 @!p0 $0x100000, s0;
	[bflag:$0x2] =	sbarrier.arrive $0xFFFF  }
0x4d: {  	[sflag:s0] =	ssyncadd.tile.s32 @!p0 $0x1;
	_ =	shalt  }
.Lfunc_end2:
_tile_overlayer_lowered:
.L_overlay_start_2:
0x4e: {  	(tag) =	ssettag $0x2  }
0x4f: {  	s0 =	rddreg [dreg:$0x0];
	s2 =	stileid.u32  }
0x50: {  	s1 =	rddreg [dreg:$0x1];
	p0 =	sne.s32 s2, $0x0  }
0x51: {  	s3 =	rddreg [dreg:$0x2];
	[bflag:$0x3] =	sbarrier.arrive $0xFFFF;
	s2 =	simm.s32 @!p0 $0x1C05  }
0x52: {  	[timem:s3], [sflag:s2] =	dma.local @!p0 [hbm:s0], s1  }
0x53: {  	s0 =	simm.s32 @!p0 $0x5  }
0x54: {  	_ =	swait.ge @!p0 [sflag:s0], s1  }
0x55: {  	s1 =	ssub.s32 @!p0 $0x0, s1;
	[sflag:s0] =	ssyncset.done @!p0 $0x0  }
0x56: {  	[sflag:s0] =	ssyncadd.s32 @!p0 s1  }
0x57: {  	[bflag:$0x3] =	sbarrier.arrive $0xFFFF  }
0x58: {  	_ =	shalt  }

// kernel: kernel.8.cloned.1.call-start
scs
__scs_entry_jumppad:
0x0: {  	(pc) =	sbr.rel $0x88, $3  }
0x1: {  	(tag) =	ssettag $0x0;
	lr =	simm.s32 $0x1  }
0x2: {  	[smem:$0x3F9B] =	sst lr;
	_ =	strace $0xD0000000  }
0x3: {  	_ = 	snop  }
0x4: {  	_ = 	snop  }
0x5: {  	_ = 	snop  }
0x6: {  	_ = 	snop  }
0x7: {  	_ = 	snop  }
__scs_overlays_trampoline_lowered:
0x8: {  	[smem:$0x3FAA] =	sst s0  }
0x9: {  	[smem:$0x3FAB] =	sst s1  }
0xa: {  	[smem:$0x3FAC] =	sst s2  }
0xb: {  	[smem:$0x3FAD] =	sst s3  }
0xc: {  	[smem:$0x3FAE] =	sst s4  }
0xd: {  	[smem:$0x3FAF] =	sst s5  }
0xe: {  	[smem:$0x3FB0] =	sst s6  }
0xf: {  	[smem:$0x3FB1] =	sst s7  }
0x10: {  	[smem:$0x3FB2] =	sst s8  }
0x11: {  	[smem:$0x3FB3] =	sst s9;
	s0 =	simm.s32 @!p0 $0x0  }
0x12: {  	s1 =	sld [smem:$0x3F99];
	s0 =	simm.s32 @p0 $0x1  }
0x13: {  	[smem:$0x3FB4] =	sst s0;
	s0 =	simm.s32 @!p1 $0x0  }
0x14: {  	s2 =	sld [smem:$0x3F98];
	s0 =	simm.s32 @p1 $0x1  }
0x15: {  	[smem:$0x3FB5] =	sst s0;
	s0 =	simm.s32 @!p2 $0x0  }
0x16: {  	s3 =	sld [smem:$0x3FDB];
	s0 =	simm.s32 @p2 $0x1  }
0x17: {  	s4 =	simm.s32 $0x1BF5;
	[smem:$0x3FB7] =	sst s0  }
0x18: {  	s0 =	sld [smem:$0x3F9A];
	_ =	swait.ge [sflag:s4], $0x0  }
0x19: {  	s7 =	sld [smem:$0x3F9B]  }
0x1a: {  	s8 =	sadd.s32 $0xFFFFE003, lr  }
0x1b: {  	s9 =	sadd.s32 $0xFFFFFEF7, lr;
	s5 =	simm.s32 $0xFFFFFFFF;
	p2 =	slt.u32 s8, $0xFFFFF086  }
0x1c: {  	p1 =	slt.u32 s9, $0xF7A;
	s5 =	simm.s32 @!p2 $0x0  }
0x1d: {  	s5 =	simm.s32 @p1 $0x1;
	p0 =	seq.s32 s7, s2  }
0x1e: {  	s7 =	smul.u32 @!p0 $0xF7A, s2;
	p2 =	seq.s32 @!p0 s5, $0x0  }
0x1f: {  	s9 =	smul.u32 $0xF7A, s1;
	s8 =	simm.s32 @!p0 $0x1BF5;
	p2 =	por !p2, p0  }
0x20: {  	[sflag:s8] =	ssyncset.s32 @!p0 $0xFFFFF086;
	s6 =	sadd.s32 @!p0 s3, s7;
	s7 =	simm.s32 @!p0 $0x108  }
0x21: {  	s3 =	sadd.s32 s3, s9;
	s6 =	sadd.s32 @!p0 $0x88, s6;
	s7 =	simm.s32 @p2 $0x1082  }
0x22: {  	[simem:s7], [sflag:s8] =	dma.local @!p0 [hbm:s6], $0xF7A  }
0x23: {  	s9 =	sor.u32 $0xD0000000, s2;
	s6 =	simm.s32 $0x108;
	_ =	swait.ge @!p0 [sflag:s8], $0x0  }
0x24: {  	s3 =	sadd.s32 $0x88, s3;
	s6 =	simm.s32 @!p1 $0x1082;
	[sflag:s4] =	ssyncset.s32 $0xFFFFF086  }
0x25: {  	[simem:s6], [sflag:s4] =	dma.local [hbm:s3], $0xF7A  }
0x26: {  	[smem:$0x3F9B] =	sst s1;
	(tag) =	ssettag s2;
	_ =	strace s9  }
0x27: {  	s1 =	sld [smem:$0x3FAB]  }
0x28: {  	s2 =	sld [smem:$0x3FAC]  }
0x29: {  	s4 =	sld [smem:$0x3FAE]  }
0x2a: {  	p0 =	seq.s32 s5, $0x0;
	s5 =	sld [smem:$0x3FAF]  }
0x2b: {  	s6 =	sld [smem:$0x3FB0]  }
0x2c: {  	s7 =	sld [smem:$0x3FB1]  }
0x2d: {  	s3 =	simm.s32 $0x108;
	s8 =	sld [smem:$0x3FB2]  }
0x2e: {  	s3 =	simm.s32 @!p0 $0x1082;
	s9 =	sld [smem:$0x3FB3]  }
0x2f: {  	lr =	sadd.s32 s0, s3;
	s0 =	sld [smem:$0x3FAA]  }
0x30: {  	s3 =	sld [smem:$0x3FAD]  }
0x31: {  	[smem:$0x3FB6] =	sst s10  }
0x32: {  	s10 =	sld [smem:$0x3FB4];
	_ =	sdelay $0x3  }
0x33: {  	p0 =	seq.s32 s10, $0x1;
	s10 =	sld [smem:$0x3FB6];
	_ =	sdelay $0x3  }
0x34: {  	[smem:$0x3FB6] =	sst s10  }
0x35: {  	s10 =	sld [smem:$0x3FB5];
	_ =	sdelay $0x3  }
0x36: {  	p1 =	seq.s32 s10, $0x1;
	s10 =	sld [smem:$0x3FB6];
	_ =	sdelay $0x3  }
0x37: {  	[smem:$0x3FB6] =	sst s10  }
0x38: {  	s10 =	sld [smem:$0x3FB7]  }
0x39: {  	_ = 	snop;
	(pc) =	sbr.ind lr, $3  }
0x3a: {  	_ = 	snop  }
0x3b: {  	_ = 	snop  }
0x3c: {  	p2 =	seq.s32 s10, $0x1;
	s10 =	sld [smem:$0x3FB6]  }
0x3d: {  	_ =	shalt  }
0x3e: {  	_ =	shalt  }
0x3f: {  	_ =	shalt  }
0x40: {  	_ =	shalt  }
0x41: {  	_ =	shalt  }
0x42: {  	_ =	shalt  }
0x43: {  	_ =	shalt  }
0x44: {  	_ =	shalt  }
0x45: {  	_ =	shalt  }
0x46: {  	_ =	shalt  }
0x47: {  	_ =	shalt  }
0x48: {  	_ =	shalt  }
0x49: {  	_ =	shalt  }
0x4a: {  	_ =	shalt  }
0x4b: {  	_ =	shalt  }
0x4c: {  	_ =	shalt  }
0x4d: {  	_ =	shalt  }
0x4e: {  	_ =	shalt  }
0x4f: {  	_ =	shalt  }
0x50: {  	_ =	shalt  }
0x51: {  	_ =	shalt  }
0x52: {  	_ =	shalt  }
0x53: {  	_ =	shalt  }
0x54: {  	_ =	shalt  }
0x55: {  	_ =	shalt  }
0x56: {  	_ =	shalt  }
0x57: {  	_ =	shalt  }
0x58: {  	_ =	shalt  }
0x59: {  	_ =	shalt  }
0x5a: {  	_ =	shalt  }
0x5b: {  	_ =	shalt  }
0x5c: {  	_ =	shalt  }
0x5d: {  	_ =	shalt  }
0x5e: {  	_ =	shalt  }
0x5f: {  	_ =	shalt  }
0x60: {  	_ =	shalt  }
0x61: {  	_ =	shalt  }
0x62: {  	_ =	shalt  }
0x63: {  	_ =	shalt  }
0x64: {  	_ =	shalt  }
0x65: {  	_ =	shalt  }
0x66: {  	_ =	shalt  }
0x67: {  	_ =	shalt  }
0x68: {  	_ =	shalt  }
0x69: {  	_ =	shalt  }
0x6a: {  	_ =	shalt  }
0x6b: {  	_ =	shalt  }
0x6c: {  	_ =	shalt  }
0x6d: {  	_ =	shalt  }
0x6e: {  	_ =	shalt  }
0x6f: {  	_ =	shalt  }
0x70: {  	_ =	shalt  }
0x71: {  	_ =	shalt  }
0x72: {  	_ =	shalt  }
0x73: {  	_ =	shalt  }
0x74: {  	_ =	shalt  }
0x75: {  	_ =	shalt  }
0x76: {  	_ =	shalt  }
0x77: {  	_ =	shalt  }
0x78: {  	_ =	shalt  }
0x79: {  	_ =	shalt  }
0x7a: {  	_ =	shalt  }
0x7b: {  	_ =	shalt  }
0x7c: {  	_ =	shalt  }
0x7d: {  	_ =	shalt  }
0x7e: {  	_ =	shalt  }
0x7f: {  	_ =	shalt  }
0x80: {  	_ =	shalt  }
0x81: {  	_ =	shalt  }
0x82: {  	_ =	shalt  }
0x83: {  	_ =	shalt  }
0x84: {  	_ =	shalt  }
0x85: {  	_ =	shalt  }
0x86: {  	_ =	shalt  }
0x87: {  	_ =	shalt  }
.Lfunc_end0:
.L_simem_size_0:
called_computation_lowered:
.L_overlay_start_0:
0x88: {  	s2 =	sld [smem:$0x3FD9]  }
0x89: {  	s3 =	sld [smem:$0x3FFE];
	_ =	sdelay $0x1  }
0x8a: {  	s1 =	srdreg.scid  }
0x8b: {  	s0 =	sand.u32 $0x1, s1  }
0x8c: {  	s17 =	sshll.u32 s0, $0xA;
	s2 =	sadd.s32 s3, s2  }
0x8d: {  	s2 =	sadd.s32 s2, s17  }
0x8e: {  	[smem:$0x3FC2] =	sst s2  }
0x8f: {  	_ = 	snop  }
0x90: {  	s2 =	sld [smem:$0x3FD0];
	(tm) =	ssettm $0x1  }
0x91: {  	s18 =	sld [smem:$0x3FFB];
	_ =	sdelay $0x3  }
0x92: {  	_ =	strace s18  }
0x93: {  	s3 =	sld [smem:$0x3FFC];
	_ =	sdelay $0x3  }
0x94: {  	_ =	strace s3  }
0x95: {  	s3 =	sld [smem:$0x3FFD];
	_ =	sdelay $0x3  }
0x96: {  	_ =	strace s3  }
0x97: {  	_ =	strace $0x8FFFFFFF  }
0x98: {  	s19 =	sld [smem:$0x3FDB];
	_ =	sdelay $0x1  }
0x99: {  	s4 =	simm.s32 $_scs_section_size  }
0x9a: {  	s5 =	simm.s32 $_size__tile_overlayer_lowered;
	s6 =	simm.s32 $_tile_overlayer_lowered  }
0x9b: {  	s22 =	simm.s32 $0x1BFF;
	s21 =	sshll.u32 s6, $0x1;
	s3 =	sadd.s32 s4, s19  }
0x9c: {  	s7 =	simm.s32 $0x0;
	s20 =	sshll.u32 s5, $0x1;
	s5 =	sadd.s32 s21, s3  }
0x9d: {  	[timem:s7], [sflag:s22] =	dma.local [hbm:s5], s20  }
0x9e: {  	_ =	swait.ge [sflag:s22], s20  }
0x9f: {  	s4 =	ssub.s32 $0x0, s20;
	[sflag:s22] =	ssyncset.done $0x0  }
0xa0: {  	[sflag:s22] =	ssyncadd.s32 s4;
	_ =	sdelay $0x1  }
0xa1: {  	s23 =	simm.s32 $0x1B8B  }
0xa2: {  	_ =	swait.ge [sflag:s23], $0x1  }
0xa3: {  	[sflag:s23] =	ssyncset.done $0x0  }
0xa4: {  	s25 =	simm.s32 $0x1B8E;
	s24 =	sld [smem:$0x3FFE];
	[sflag:s23] =	ssyncadd.s32 $0xFFFFFFFF  }
0xa5: {  	s26 =	simm.s32 $execute0_lowered;
	[smem:$0x3FD2] =	sst s25  }
0xa6: {  	s5 =	sshll.u32 s26, $0x1;
	_ =	strace $0x80000046;
	[dreg:$0x1] =	wrdreg $0xFFFFFFFF  }
0xa7: {  	s28 =	simm.s32 $_size_execute0_lowered;
	s3 =	sadd.s32 s3, s5;
	[dreg:$0x0] =	wrdreg $0x0  }
0xa8: {  	s5 =	sshll.u32 s28, $0x1;
	[dreg:$0x2] =	wrdreg s3  }
0xa9: {  	[dreg:$0x3] =	wrdreg s5  }
0xaa: {  	[dreg:$0x4] =	wrdreg $0xC0  }
0xab: {  	_ =	task [dreg:s7], $0x5FFFF  }
0xac: {  	[dreg:$0x1] =	wrdreg $0xFFFFFFFF  }
0xad: {  	[dreg:$0x0] =	wrdreg $0x60  }
0xae: {  	[dreg:$0x2] =	wrdreg s2  }
0xaf: {  	[dreg:$0x3] =	wrdreg s24  }
0xb0: {  	[dreg:$0x4] =	wrdreg $0x58000  }
0xb1: {  	[dreg:$0x5] =	wrdreg $0x80000  }
0xb2: {  	[dreg:$0x6] =	wrdreg $0x9  }
0xb3: {  	_ =	task.clear_ibuf [dreg:s7], $0x7FFFF;
	_ =	strace $0x90000046  }
0xb4: {  	s29 =	simm.s32 $0x9;
	_ =	strace $0x80000048  }
0xb5: {  	_ =	swait.ge [sflag:s29], $0x1  }
0xb6: {  	[sflag:s29] =	ssyncadd.s32 $0xFFFFFFFF  }
0xb7: {  	_ =	strace $0x90000048  }
0xb8: {  	_ =	sfence  }
0xb9: {  	s30 =	sld [smem:$0x0];
	_ =	sdelay $0x2  }
0xba: {  	s31 =	sshll.u32 s1, $0xD;
	s1 =	sshrl.u32 s1, $0x2  }
0xbb: {  	s3 =	sand.u32 $0x4000, s31;
	s1 =	sadd.s32 s1, s30  }
0xbc: {  	s0 =	sor.u32 s3, s0;
	s1 =	sshll.u32 s1, $0x11  }
0xbd: {  	s0 =	sor.u32 s1, s0  }
0xbe: {  	s0 =	sadd.s32 $0x8F2B, s0  }
0xbf: {  	[sflag:s0] =	ssyncadd.remote.s32 $0x1  }
0xc0: {  	_ =	sfence.sel $0xFFFF  }
0xc1: {  	[dreg:$0x0] =	wrdreg $0xFFFFFFFF;
	(pc) =	sbr.abs _section_cstart, $3  }
0xc2: {  	[dreg:$0x1] =	wrdreg $0xFFFFFFFF  }
0xc3: {  	_ =	task.clear_ibuf [dreg:s7], $0x2FFFF;
	_ =	strace $0x9FFFFFFF  }
0xc4: {  	(tm) =	ssettm $0x7FFFFFFF  }
0xc5: {  	_ =	shalt  }
tec
execute0_lowered:
.L_overlay_start_1:
0x0: {  	(tag) =	ssettag $0x1  }
0x1: {  	s0 =	srdreg.scid;
	s1 =	rddreg [dreg:$0x0]  }
0x2: {  	s15 =	stileid.u32;
	s7 =	rddreg [dreg:$0x1];
	s4 =	simm.s32 $0x0  }
0x3: {  	s12 =	simm.s32 $0x9;
	s13 =	simm.s32 $0x2800;
	s14 =	simm.s32 $0x5000  }
0x4: {  	s18 =	simm.s32 $0x80;
	s22 =	simm.s32 $0x180;
	s23 =	simm.s32 $0x2980  }
0x5: {  	s28 =	simm.s32 $0x6;
	s29 =	simm.s32 $0x3;
	s30 =	simm.s32 $0x7  }
0x6: {  	s31 =	simm.s32 $0x4;
	s0 =	sand.u32 $0x1, s0;
	s9 =	smul.u32 $0x2800, s15  }
0x7: {  	[smem:$0x7FF] =	sst s4;
	s26 =	sshll.u32 s15, $0x6;
	s2 =	sshll.u32 s0, $0x4  }
0x8: {  	s5 =	smul.u32 $0x28000, s0;
	s0 =	ssub.s32 $0x2, s0;
	s3 =	sor.u32 s15, s2  }
0x9: {  	s2 =	rddreg [dreg:$0x2];
	s24 =	sshrl.u32 s0, $0x1;
	s15 =	sor.u32 $0x1C09, s26  }
0xa: {  	s26 =	simm.s32 $0x2;
	s8 =	smul.u32 $0x500, s3;
	s3 =	rddreg [dreg:$0x3]  }
0xb: {  	_ =	strace $0x80000047;
	s6 =	sadd.s32 s9, s5;
	s5 =	sadd.s32 $0x16800, s7  }
0xc: {  	s0 =	ssub.s32 s0, s24;
	s25 =	sadd.s32 s9, s2;
	s24 =	simm.s32 $0x1  }
0xd: {  	s11 =	sshrl.u32 s6, $0x3;
	s6 =	sadd.s32 $0x16200, s7;
	s17 =	sadd.s32 s9, s3  }
0xe: {  	s16 =	sshrl.u32 s25, $0x3;
	s25 =	simm.s32 $0x5;
	s10 =	sadd.s32 s8, s7  }
0xf: {  	s11 =	sadd.s32 s11, s7;
	s7 =	sadd.s32 s1, s8;
	s17 =	sshrl.u32 s17, $0x3  }
0x10: {  	s1 =	simm.s32 $0x8;
	s8 =	sadd.s32 $0xC200, s10;
	s9 =	sadd.s32 $0x20A00, s11  }
0x11: {  	s10 =	sadd.s32 $0x16A00, s11;
	s11 =	smax.u32 s0, $0x1;
	s0 =	simm.s32 $0x0  }
.LBB2_1:
0x12: {  	[tilespmem:s4], [sflag:$0x9] =	stream.linear.gather [hbm4b:s7+s4], $0x2800, $0x38;
	[tilespmem:$0xA800] =	vst v63  }
0x13: {  	_ =	swait.ge [sflag:s12], $0x2800  }
0x14: {  	[sflag:s12] =	ssyncset.done $0x0  }
0x15: {  	[sflag:s12] =	ssyncadd.s32 $0xFFFFD800  }
0x16: {  	[tilespmem:s13], [sflag:$0x9] =	stream.linear.gather [hbm4b:s8+s4], $0x2800, $0x38;
	[tilespmem:$0xA800] =	vst v63  }
0x17: {  	_ =	swait.ge [sflag:s12], $0x2800  }
0x18: {  	[sflag:s12] =	ssyncset.done $0x0  }
0x19: {  	[sflag:s12] =	ssyncadd.s32 $0xFFFFD800  }
0x1a: {  	[tilespmem:s14], [sflag:$0x9] =	stream.linear.gather [hbm4b:s5+s4], $0x800, $0x38;
	[tilespmem:$0xA800] =	vst v63  }
0x1b: {  	_ =	swait.ge [sflag:s12], $0x800  }
0x1c: {  	[sflag:s12] =	ssyncset.done $0x0  }
0x1d: {  	[sflag:s12] =	ssyncadd.s32 $0xFFFFF800  }
0x1e: {  	[spmem:s16], [sflag:s15] =	dma.local [hbm:s6], $0x500  }
0x1f: {  	_ =	swait.ge [sflag:s12], $0x500  }
0x20: {  	[sflag:s12] =	ssyncset.done $0x0  }
0x21: {  	[sflag:s12] =	ssyncadd.s32 $0xFFFFFB00  }
0x22: {  	[spmem:s17], [sflag:s15] =	dma.local [hbm:s6], $0x500  }
0x23: {  	_ =	swait.ge [sflag:s12], $0x500  }
0x24: {  	[sflag:s12] =	ssyncset.done $0x0  }
0x25: {  	[sflag:s12] =	ssyncadd.s32 $0xFFFFFB00  }
0x26: {  	[bflag:$0x0] =	sbarrier.arrive $0xFFFF  }
0x27: {  	[spmem:s2] =	stream.indirect.scatter.add.f32 [tilespmem:s14], [sflag:$0x1], $0x10, s4, s18, $0xb8;
	[tilespmem:$0xA800] =	vst v63  }
0x28: {  	_ = 	snop  }
0x29: {  	[spmem:s3] =	stream.indirect.scatter.add.f32 [tilespmem:s14], [sflag:$0x5], $0x10, s13, s18, $0xb8;
	[tilespmem:$0xA800] =	vst v63  }
0x2a: {  	_ = 	snop  }
0x2b: {  	[spmem:s2] =	stream.indirect.scatter.add.f32 [tilespmem:s14], [sflag:$0x2], $0x10, s18, s18, $0xb8;
	[tilespmem:$0xA800] =	vst v63  }
0x2c: {  	s19 =	simm.s32 $0x2880  }
0x2d: {  	[spmem:s3] =	stream.indirect.scatter.add.f32 [tilespmem:s14], [sflag:$0x6], $0x10, s19, s18, $0xb8;
	[tilespmem:$0xA800] =	vst v63  }
0x2e: {  	s21 =	simm.s32 $0x100  }
0x2f: {  	[spmem:s2] =	stream.indirect.scatter.add.f32 [tilespmem:s14], [sflag:$0x3], $0x10, s21, s18, $0xb8;
	[tilespmem:$0xA800] =	vst v63  }
0x30: {  	s20 =	simm.s32 $0x2900  }
0x31: {  	[spmem:s3] =	stream.indirect.scatter.add.f32 [tilespmem:s14], [sflag:$0x7], $0x10, s20, s18, $0xb8;
	[tilespmem:$0xA800] =	vst v63  }
0x32: {  	_ = 	snop  }
0x33: {  	[spmem:s2] =	stream.indirect.scatter.add.f32 [tilespmem:s14], [sflag:$0x4], $0x10, s22, s18, $0xb8;
	[tilespmem:$0xA800] =	vst v63  }
0x34: {  	_ = 	snop  }
0x35: {  	[spmem:s3] =	stream.indirect.scatter.add.f32 [tilespmem:s14], [sflag:$0x8], $0x10, s23, s18, $0xb8;
	[tilespmem:$0xA800] =	vst v63  }
0x36: {  	_ =	swait.ge [sflag:s24], $0x800  }
0x37: {  	[sflag:s24] =	ssyncset.done $0x0  }
0x38: {  	[sflag:s24] =	ssyncadd.s32 $0xFFFFF800  }
0x39: {  	_ =	swait.ge [sflag:s25], $0x800  }
0x3a: {  	[sflag:s25] =	ssyncset.done $0x0  }
0x3b: {  	s21 =	simm.s32 $0x200;
	[sflag:s25] =	ssyncadd.s32 $0xFFFFF800  }
0x3c: {  	[spmem:s2] =	stream.indirect.scatter.add.f32 [tilespmem:s14], [sflag:$0x1], $0x10, s21, s18, $0xb8;
	[tilespmem:$0xA800] =	vst v63  }
0x3d: {  	s20 =	simm.s32 $0x2A00  }
0x3e: {  	[spmem:s3] =	stream.indirect.scatter.add.f32 [tilespmem:s14], [sflag:$0x5], $0x10, s20, s18, $0xb8;
	[tilespmem:$0xA800] =	vst v63  }
0x3f: {  	_ =	swait.ge [sflag:s26], $0x800  }
0x40: {  	[sflag:s26] =	ssyncset.done $0x0  }
0x41: {  	[sflag:s26] =	ssyncadd.s32 $0xFFFFF800  }
0x42: {  	_ =	swait.ge [sflag:s28], $0x800  }
0x43: {  	[sflag:s28] =	ssyncset.done $0x0  }
0x44: {  	s21 =	simm.s32 $0x280;
	[sflag:s28] =	ssyncadd.s32 $0xFFFFF800  }
0x45: {  	[spmem:s2] =	stream.indirect.scatter.add.f32 [tilespmem:s14], [sflag:$0x2], $0x10, s21, s18, $0xb8;
	[tilespmem:$0xA800] =	vst v63  }
0x46: {  	s20 =	simm.s32 $0x2A80  }
0x47: {  	[spmem:s3] =	stream.indirect.scatter.add.f32 [tilespmem:s14], [sflag:$0x6], $0x10, s20, s18, $0xb8;
	[tilespmem:$0xA800] =	vst v63  }
0x48: {  	_ =	swait.ge [sflag:s29], $0x800  }
0x49: {  	[sflag:s29] =	ssyncset.done $0x0  }
0x4a: {  	[sflag:s29] =	ssyncadd.s32 $0xFFFFF800  }
0x4b: {  	_ =	swait.ge [sflag:s30], $0x800  }
0x4c: {  	[sflag:s30] =	ssyncset.done $0x0  }
0x4d: {  	s21 =	simm.s32 $0x300;
	[sflag:s30] =	ssyncadd.s32 $0xFFFFF800  }
0x4e: {  	[spmem:s2] =	stream.indirect.scatter.add.f32 [tilespmem:s14], [sflag:$0x3], $0x10, s21, s18, $0xb8;
	[tilespmem:$0xA800] =	vst v63  }
0x4f: {  	s20 =	simm.s32 $0x2B00  }
0x50: {  	[spmem:s3] =	stream.indirect.scatter.add.f32 [tilespmem:s14], [sflag:$0x7], $0x10, s20, s18, $0xb8;
	[tilespmem:$0xA800] =	vst v63  }
0x51: {  	_ =	swait.ge [sflag:s31], $0x800  }
0x52: {  	[sflag:s31] =	ssyncset.done $0x0  }
0x53: {  	[sflag:s31] =	ssyncadd.s32 $0xFFFFF800  }
0x54: {  	_ =	swait.ge [sflag:s1], $0x800  }
0x55: {  	s19 =	simm.s32 $0x800;
	[sflag:s1] =	ssyncset.done $0x0  }
0x56: {  	s21 =	simm.s32 $0x380;
	s20 =	simm.s32 $0x2B80;
	[sflag:s1] =	ssyncadd.s32 $0xFFFFF800  }
0x57: {  	[spmem:s2] =	stream.indirect.scatter.add.f32 [tilespmem:s14], [sflag:$0x4], $0x10, s21, s18, $0xb8;
	[tilespmem:$0xA800] =	vst v63  }
.LBB2_2:
0x58: {  	[spmem:s3] =	stream.indirect.scatter.add.f32 [tilespmem:s14], [sflag:$0x8], $0x10, s20, s18, $0xb8;
	[tilespmem:$0xA800] =	vst v63  }
0x59: {  	s20 =	smov.u32 s19  }
0x5a: {  	p0 =	sne.s32 s19, $0x9000;
	s19 =	sadd.s32 $0x800, s19;
	_ =	swait.ge [sflag:s24], $0x800  }
0x5b: {  	[sflag:s24] =	ssyncset.done $0x0  }
0x5c: {  	[sflag:s24] =	ssyncadd.s32 $0xFFFFF800  }
0x5d: {  	_ =	swait.ge [sflag:s25], $0x800  }
0x5e: {  	s20 =	sshra.s32 s20, $0x2;
	[sflag:s25] =	ssyncset.done $0x0  }
0x5f: {  	s21 =	sadd.s32 $0x200, s20;
	[sflag:s25] =	ssyncadd.s32 $0xFFFFF800  }
0x60: {  	[spmem:s2] =	stream.indirect.scatter.add.f32 [tilespmem:s14], [sflag:$0x1], $0x10, s21, s18, $0xb8;
	[tilespmem:$0xA800] =	vst v63  }
0x61: {  	s21 =	sadd.s32 $0x2A00, s20  }
0x62: {  	[spmem:s3] =	stream.indirect.scatter.add.f32 [tilespmem:s14], [sflag:$0x5], $0x10, s21, s18, $0xb8;
	[tilespmem:$0xA800] =	vst v63  }
0x63: {  	_ =	swait.ge [sflag:s26], $0x800  }
0x64: {  	[sflag:s26] =	ssyncset.done $0x0  }
0x65: {  	[sflag:s26] =	ssyncadd.s32 $0xFFFFF800  }
0x66: {  	_ =	swait.ge [sflag:s28], $0x800  }
0x67: {  	[sflag:s28] =	ssyncset.done $0x0  }
0x68: {  	s21 =	sadd.s32 $0x280, s20;
	[sflag:s28] =	ssyncadd.s32 $0xFFFFF800  }
0x69: {  	[spmem:s2] =	stream.indirect.scatter.add.f32 [tilespmem:s14], [sflag:$0x2], $0x10, s21, s18, $0xb8;
	[tilespmem:$0xA800] =	vst v63  }
0x6a: {  	s21 =	sadd.s32 $0x2A80, s20  }
0x6b: {  	[spmem:s3] =	stream.indirect.scatter.add.f32 [tilespmem:s14], [sflag:$0x6], $0x10, s21, s18, $0xb8;
	[tilespmem:$0xA800] =	vst v63  }
0x6c: {  	_ =	swait.ge [sflag:s29], $0x800  }
0x6d: {  	[sflag:s29] =	ssyncset.done $0x0  }
0x6e: {  	[sflag:s29] =	ssyncadd.s32 $0xFFFFF800  }
0x6f: {  	_ =	swait.ge [sflag:s30], $0x800  }
0x70: {  	[sflag:s30] =	ssyncset.done $0x0  }
0x71: {  	s21 =	sadd.s32 $0x300, s20;
	[sflag:s30] =	ssyncadd.s32 $0xFFFFF800  }
0x72: {  	[spmem:s2] =	stream.indirect.scatter.add.f32 [tilespmem:s14], [sflag:$0x3], $0x10, s21, s18, $0xb8;
	[tilespmem:$0xA800] =	vst v63  }
0x73: {  	s21 =	sadd.s32 $0x2B00, s20  }
0x74: {  	[spmem:s3] =	stream.indirect.scatter.add.f32 [tilespmem:s14], [sflag:$0x7], $0x10, s21, s18, $0xb8;
	[tilespmem:$0xA800] =	vst v63  }
0x75: {  	_ =	swait.ge [sflag:s31], $0x800  }
0x76: {  	[sflag:s31] =	ssyncset.done $0x0  }
0x77: {  	[sflag:s31] =	ssyncadd.s32 $0xFFFFF800  }
.Ltmp0:
0x78: {  	_ =	swait.ge [sflag:s1], $0x800;
	(pc) =	sbr.rel @p0 .LBB2_2-.Ltmp0, $4  }
0x79: {  	[sflag:s1] =	ssyncset.done $0x0  }
0x7a: {  	s21 =	sadd.s32 $0x380, s20;
	[sflag:s1] =	ssyncadd.s32 $0xFFFFF800  }
0x7b: {  	[spmem:s2] =	stream.indirect.scatter.add.f32 [tilespmem:s14], [sflag:$0x4], $0x10, s21, s18, $0xb8;
	[tilespmem:$0xA800] =	vst v63  }
0x7c: {  	s20 =	sadd.s32 $0x2B80, s20  }
0x7d: {  	[spmem:s3] =	stream.indirect.scatter.add.f32 [tilespmem:s14], [sflag:$0x8], $0x10, s20, s18, $0xb8;
	[tilespmem:$0xA800] =	vst v63  }
0x7e: {  	_ =	swait.ge [sflag:s24], $0x800  }
0x7f: {  	[sflag:s24] =	ssyncset.done $0x0  }
0x80: {  	[sflag:s24] =	ssyncadd.s32 $0xFFFFF800  }
0x81: {  	_ =	swait.ge [sflag:s25], $0x800  }
0x82: {  	[sflag:s25] =	ssyncset.done $0x0  }
0x83: {  	[sflag:s25] =	ssyncadd.s32 $0xFFFFF800  }
0x84: {  	_ =	swait.ge [sflag:s26], $0x800  }
0x85: {  	[sflag:s26] =	ssyncset.done $0x0  }
0x86: {  	[sflag:s26] =	ssyncadd.s32 $0xFFFFF800  }
0x87: {  	_ =	swait.ge [sflag:s28], $0x800  }
0x88: {  	[sflag:s28] =	ssyncset.done $0x0  }
0x89: {  	[sflag:s28] =	ssyncadd.s32 $0xFFFFF800  }
0x8a: {  	_ =	swait.ge [sflag:s29], $0x800  }
0x8b: {  	[sflag:s29] =	ssyncset.done $0x0  }
0x8c: {  	[sflag:s29] =	ssyncadd.s32 $0xFFFFF800  }
0x8d: {  	_ =	swait.ge [sflag:s30], $0x800  }
0x8e: {  	[sflag:s30] =	ssyncset.done $0x0  }
0x8f: {  	[sflag:s30] =	ssyncadd.s32 $0xFFFFF800  }
0x90: {  	_ =	swait.ge [sflag:s31], $0x800  }
0x91: {  	[sflag:s31] =	ssyncset.done $0x0  }
0x92: {  	[sflag:s31] =	ssyncadd.s32 $0xFFFFF800  }
0x93: {  	_ =	swait.ge [sflag:s1], $0x800  }
0x94: {  	[sflag:s1] =	ssyncset.done $0x0  }
0x95: {  	[sflag:s1] =	ssyncadd.s32 $0xFFFFF800  }
0x96: {  	[bflag:$0x0] =	sbarrier.arrive $0xFFFF  }
0x97: {  	[hbm:s9], [sflag:s15] =	dma.local [spmem:s16], $0x500  }
0x98: {  	s0 =	sadd.s32 $0x1, s0;
	_ =	swait.ge [sflag:s12], $0x500  }
0x99: {  	p0 =	sne.s32 s0, s11;
	[sflag:s12] =	ssyncset.done $0x0  }
.Ltmp1:
0x9a: {  	[sflag:s12] =	ssyncadd.s32 $0xFFFFFB00;
	(pc) =	sbr.rel @p0 .LBB2_1-.Ltmp1, $4  }
0x9b: {  	[hbm:s10], [sflag:s15] =	dma.local [spmem:s17], $0x500  }
0x9c: {  	_ =	swait.ge [sflag:s12], $0x500  }
0x9d: {  	[sflag:s12] =	ssyncset.done $0x0  }
0x9e: {  	[sflag:s12] =	ssyncadd.s32 $0xFFFFFB00  }
0x9f: {  	_ =	sfence.sel $0x180000  }
0xa0: {  	[bflag:$0x0] =	sbarrier.arrive $0xFFFF  }
0xa1: {  	_ =	strace $0x90000047  }
0xa2: {  	s0 =	stileid.u32;
	[bflag:$0x2] =	sbarrier.arrive $0xFFFF  }
0xa3: {  	p0 =	sne.s32 s0, $0x0;
	s0 =	rddreg [dreg:$0x4]  }
0xa4: {  	s0 =	sadd.s32 @!p0 $0x100000, s0  }
0xa5: {  	[sflag:s0] =	ssyncadd.tile.s32 @!p0 $0x1;
	_ =	shalt  }
.Lfunc_end2:
_tile_overlayer_lowered:
.L_overlay_start_2:
0xa6: {  	(tag) =	ssettag $0x2  }
0xa7: {  	s0 =	rddreg [dreg:$0x0];
	s2 =	stileid.u32  }
0xa8: {  	s1 =	rddreg [dreg:$0x1];
	p0 =	sne.s32 s2, $0x0  }
0xa9: {  	s3 =	rddreg [dreg:$0x2];
	[bflag:$0x3] =	sbarrier.arrive $0xFFFF;
	s2 =	simm.s32 @!p0 $0x1C09  }
0xaa: {  	[timem:s3], [sflag:s2] =	dma.local @!p0 [hbm:s0], s1  }
0xab: {  	s0 =	simm.s32 @!p0 $0x9  }
0xac: {  	_ =	swait.ge @!p0 [sflag:s0], s1  }
0xad: {  	s1 =	ssub.s32 @!p0 $0x0, s1;
	[sflag:s0] =	ssyncset.done @!p0 $0x0  }
0xae: {  	[sflag:s0] =	ssyncadd.s32 @!p0 s1  }
0xaf: {  	[bflag:$0x3] =	sbarrier.arrive $0xFFFF  }
0xb0: {  	_ =	shalt  }

</sc_bundles>
